<compile_context>
chip_gen: v7x
topology: tpu7x:2x2x1
jax: 0.10.2.dev20260603
libtpu: 0.0.44.dev20260713+nightly
codegen_flags: <defaults>
</compile_context>

<pallas_src>
import functools

import jax
import jax.numpy as jnp
from jax import lax
from jax.experimental import pallas as pl
from jax.experimental.pallas import tpu as pltpu
from jax.experimental.pallas import tpu_sc as plsc

N_NODES = 100000
D = 128
N0 = 10000
N1 = 2000
N2 = 1024

NC = 2
NS = 16
NW = NC * NS

G_PAD = 12288
G_PER = G_PAD // NW
NV = G_PER // 16

I2_PAD = 3072

MB = 200
NMB = N1 // MB


def _sc_gather(raw_features, src_nodes, idx_l1):
    mesh = plsc.VectorSubcoreMesh(core_axis_name="c", subcore_axis_name="s")

    @functools.partial(
        pl.kernel,
        mesh=mesh,
        out_type=jax.ShapeDtypeStruct((G_PAD, D), jnp.float32),
        scratch_types=[
            pltpu.VMEM((G_PER,), jnp.int32),
            pltpu.VMEM((G_PER,), jnp.int32),
            pltpu.VMEM((G_PER, D), jnp.float32),
            pltpu.SemaphoreType.DMA,
        ],
        compiler_params=pltpu.CompilerParams(needs_layout_passes=False),
    )
    def k(raw_hbm, nodes_hbm, idx_hbm, out_hbm, idx_raw, idx_c, rows, sem):
        wid = lax.axis_index("c") * NS + lax.axis_index("s")
        pltpu.sync_copy(idx_hbm.at[pl.ds(wid * G_PER, G_PER)], idx_raw)
        h1 = []
        for j in range(NV):
            v = idx_raw[pl.ds(j * 16, 16)]
            h1.append(pltpu.async_copy(nodes_hbm.at[v],
                                       idx_c.at[pl.ds(j * 16, 16)], sem))
        for h in h1:
            h.wait()
        h2 = []
        for j in range(NV):
            v = idx_c[pl.ds(j * 16, 16)]
            h2.append(pltpu.async_copy(raw_hbm.at[v],
                                       rows.at[pl.ds(j * 16, 16)], sem))
        for h in h2:
            h.wait()
        pltpu.sync_copy(rows, out_hbm.at[pl.ds(wid * G_PER, G_PER)])

    return k(raw_features, src_nodes, idx_l1)


def _tc_body(dif1_r, gall_r, w1_r, dif2_r, i2_r, w2_r, out_r, x1, src2):
    kk = pl.program_id(0)

    s = gall_r[pl.ds(N1, N0), :]
    agg_rows = jnp.dot(dif1_r[...], s, preferred_element_type=jnp.float32)
    dst1 = gall_r[pl.ds(kk * MB, MB), :]
    x1[pl.ds(kk * MB, MB), :] = jnp.maximum(
        jnp.dot(dst1, w1_r[pl.ds(0, D), :],
                preferred_element_type=jnp.float32)
        + jnp.dot(agg_rows, w1_r[pl.ds(D, D), :],
                  preferred_element_type=jnp.float32),
        0.0)

    @pl.when(kk == NMB - 1)
    def _final():
        x1v = x1[...]
        for b in range(5):
            idx = i2_r[pl.ds(b * 400, 400), :]
            colj = lax.broadcasted_iota(jnp.int32, (400, N1), 1)
            oh = (idx == colj).astype(jnp.float32)
            src2[pl.ds(b * 400, 400), :] = jnp.dot(
                oh, x1v, preferred_element_type=jnp.float32)
        ztop = jnp.dot(x1v, w2_r[pl.ds(0, D), :],
                       preferred_element_type=jnp.float32)
        agg2 = jnp.dot(dif2_r[...], src2[...],
                       preferred_element_type=jnp.float32)
        zbot = jnp.dot(agg2, w2_r[pl.ds(D, D), :],
                       preferred_element_type=jnp.float32)
        for b in range(4):
            idx = i2_r[pl.ds(N1 + b * 256, 256), :]
            colj = lax.broadcasted_iota(jnp.int32, (256, N1), 1)
            oh = (idx == colj).astype(jnp.float32)
            out_r[pl.ds(b * 256, 256), :] = (
                jnp.dot(oh, ztop, preferred_element_type=jnp.float32)
                + zbot[b * 256:(b + 1) * 256, :])


def _tc_main(gall, dif_mat_l1, w1, dif_mat_l2, i2, w2, interpret=False):
    return pl.pallas_call(
        _tc_body,
        grid=(NMB,),
        in_specs=[
            pl.BlockSpec((MB, N0), lambda k: (k, 0)),
            pl.BlockSpec((G_PAD, D), lambda k: (0, 0)),
            pl.BlockSpec((2 * D, D), lambda k: (0, 0)),
            pl.BlockSpec((N2, N1), lambda k: (0, 0)),
            pl.BlockSpec((I2_PAD, 1), lambda k: (0, 0)),
            pl.BlockSpec((2 * D, D), lambda k: (0, 0)),
        ],
        out_specs=pl.BlockSpec((N2, D), lambda k: (0, 0)),
        out_shape=jax.ShapeDtypeStruct((N2, D), jnp.float32),
        scratch_shapes=[
            pltpu.VMEM((N1, D), jnp.float32),
            pltpu.VMEM((N1, D), jnp.float32),
        ],
        compiler_params=pltpu.CompilerParams(
            dimension_semantics=("arbitrary",)),
        interpret=interpret,
    )(dif_mat_l1, gall, w1, dif_mat_l2, i2, w2)


def kernel(raw_features, src_nodes, dstsrc2src_l1, dstsrc2dst_l1, dif_mat_l1,
           dstsrc2src_l2, dstsrc2dst_l2, dif_mat_l2, w1, w2):
    idx_l1 = jnp.pad(
        jnp.concatenate([dstsrc2dst_l1.astype(jnp.int32),
                         dstsrc2src_l1.astype(jnp.int32)]),
        (0, G_PAD - N1 - N0))
    gall = _sc_gather(raw_features, src_nodes.astype(jnp.int32), idx_l1)
    i2 = jnp.pad(
        jnp.concatenate([dstsrc2src_l2.astype(jnp.int32),
                         dstsrc2dst_l2.astype(jnp.int32)]),
        (0, I2_PAD - N1 - N2)).reshape(I2_PAD, 1)
    return _tc_main(gall, dif_mat_l1, w1, dif_mat_l2, i2, w2)

# --- scband reference (transcript-rebuilt; emitter-appended) ---
"""Pipeline reference for scband-graph-sage-base-35115652612624 (READ-ONLY COPY).

The authoritative reference and input builder live on the scoring server;
editing this copy changes nothing except your own understanding.
"""

import jax, jax.numpy as jnp
import numpy as np

N_NODES = 100000
D_FEAT = 128
D_INT = 128
N0 = 10000   # src_nodes / layer-1 dstsrc set size
N1 = 2000    # layer-1 output / layer-2 dstsrc set size
N2 = 1024    # final batch of dst nodes


def setup_inputs(seed: int = 0) -> dict:
    key = jax.random.key(seed)
    ks = jax.random.split(key, 10)
    raw_features = jax.random.normal(ks[0], (N_NODES, D_FEAT), dtype=jnp.float32)
    src_nodes = jax.random.randint(ks[1], (N0,), 0, N_NODES)
    dstsrc2src_l1 = jax.random.randint(ks[2], (N0,), 0, N0)
    dstsrc2dst_l1 = jax.random.randint(ks[3], (N1,), 0, N0)
    dif_mat_l1 = jax.random.uniform(ks[4], (N1, N0), dtype=jnp.float32)
    dstsrc2src_l2 = jax.random.randint(ks[5], (N1,), 0, N1)
    dstsrc2dst_l2 = jax.random.randint(ks[6], (N2,), 0, N1)
    dif_mat_l2 = jax.random.uniform(ks[7], (N2, N1), dtype=jnp.float32)
    # MeanAggregator weights: concat([dst, agg]) -> [*, 2*in_dim] @ w[2*in_dim, internal_dim]
    w1 = jax.random.normal(ks[8], (2 * D_FEAT, D_INT), dtype=jnp.float32) * 0.05
    w2 = jax.random.normal(ks[9], (2 * D_INT, D_INT), dtype=jnp.float32) * 0.05
    return {
        'raw_features': raw_features,
        'src_nodes': src_nodes,
        'dstsrc2src_l1': dstsrc2src_l1,
        'dstsrc2dst_l1': dstsrc2dst_l1,
        'dif_mat_l1': dif_mat_l1,
        'dstsrc2src_l2': dstsrc2src_l2,
        'dstsrc2dst_l2': dstsrc2dst_l2,
        'dif_mat_l2': dif_mat_l2,
        'w1': w1,
        'w2': w2,
    }


def _mean_aggregate(x, dstsrc2src, dstsrc2dst, dif_mat, w, activ):
    # Faithful to MeanAggregator.call:
    #   dst_features = tf.gather(x, dstsrc2dst)
    #   src_features = tf.gather(x, dstsrc2src)
    #   aggregated   = dif_mat @ src_features
    #   out = concat([dst, aggregated], 1) @ w ; optional relu
    dst_features = jnp.take(x, dstsrc2dst, axis=0)
    src_features = jnp.take(x, dstsrc2src, axis=0)
    aggregated = jnp.matmul(dif_mat, src_features)
    concatenated = jnp.concatenate([dst_features, aggregated], axis=1)
    out = jnp.matmul(concatenated, w)
    if activ:
        out = jax.nn.relu(out)
    return out


def reference(raw_features, src_nodes, dstsrc2src_l1, dstsrc2dst_l1, dif_mat_l1,
              dstsrc2src_l2, dstsrc2dst_l2, dif_mat_l2, w1, w2):
    # RawFeature input layer: gather raw features for the minibatch src node set
    x = jnp.take(raw_features, src_nodes, axis=0)
    # agg_lv1: has_activ=True (not last layer)
    x = _mean_aggregate(x, dstsrc2src_l1, dstsrc2dst_l1, dif_mat_l1, w1, True)
    # agg_lv2: last layer, last_has_activ=False
    x = _mean_aggregate(x, dstsrc2src_l2, dstsrc2dst_l2, dif_mat_l2, w2, False)
    return x

if __name__ == "__main__":
    import jax
    _d = setup_inputs()
    print(jax.jit(kernel)(*tuple(_d.values())))

</pallas_src>

<mosaic_0001>
#map = affine_map<(d0, d1) -> (0, 0)>
#map1 = affine_map<(d0, d1) -> (0)>
module attributes {stable_mosaic.version = 14 : i64} {
  func.func @k(%arg0: i32, %arg1: i32, %arg2: memref<100000x128xf32, #tpu.memory_space<hbm>>, %arg3: memref<10000xi32, #tpu.memory_space<hbm>>, %arg4: memref<12288xi32, #tpu.memory_space<hbm>>, %arg5: memref<12288x128xf32, #tpu.memory_space<hbm>>, %arg6: memref<384xi32, #tpu.memory_space<vmem>>, %arg7: memref<384xi32, #tpu.memory_space<vmem>>, %arg8: memref<384x128xf32, #tpu.memory_space<vmem>>, %arg9: memref<!tpu.dma_semaphore, #tpu.memory_space<semaphore_mem>>) attributes {dimension_semantics = [#tpu.dimension_semantics<core_parallel>, #tpu.dimension_semantics<subcore_parallel>], iteration_bounds = array<i64: 2, 16>, scalar_prefetch = 0 : i64, scratch_operands = 4 : i64, tpu.core_type = #tpu.core_type<sc_vector_subcore>, window_params = [{transform_indices = #map}, {transform_indices = #map1}, {transform_indices = #map1}, {transform_indices = #map}]} {
    %mul3A = arith.constant 16 : i32
    %mul3A_0 = arith.muli %arg0, %mul3A : i32
    %add3A = arith.addi %mul3A_0, %arg1 : i32
    %mul3A_1 = arith.constant 384 : i32
    %mul3A_2 = arith.muli %add3A, %mul3A_1 : i32
    "tpu.region"() ({
      %run_scoped3A = tpu.sem_alloc : memref<!tpu.dma_semaphore, #tpu.memory_space<semaphore_mem>>
      %dma_start3A_578 = tpu.memref_slice %arg4[%mul3A_2] : memref<12288xi32, #tpu.memory_space<hbm>> -> memref<384xi32, #tpu.memory_space<hbm>>
      %dma_start3A_579 = tpu.memref_slice %arg4[%mul3A_2] : memref<12288xi32, #tpu.memory_space<hbm>> -> memref<384xi32, #tpu.memory_space<hbm>>
      tpu.enqueue_dma source(%dma_start3A_579 : memref<384xi32, #tpu.memory_space<hbm>>) target(%arg6 : memref<384xi32, #tpu.memory_space<vmem>>) target_semaphore(%run_scoped3A : memref<!tpu.dma_semaphore, #tpu.memory_space<semaphore_mem>>)
      %dma_wait3A_580 = tpu.memref_slice %arg4[%mul3A_2] : memref<12288xi32, #tpu.memory_space<hbm>> -> memref<384xi32, #tpu.memory_space<hbm>>
      %dma_wait3A_581 = tpu.memref_slice %arg4[%mul3A_2] : memref<12288xi32, #tpu.memory_space<hbm>> -> memref<384xi32, #tpu.memory_space<hbm>>
      tpu.wait_dma2 semaphore(%run_scoped3A : memref<!tpu.dma_semaphore, #tpu.memory_space<semaphore_mem>>) src(%dma_wait3A_581 : memref<384xi32, #tpu.memory_space<hbm>>) dst(%arg6 : memref<384xi32, #tpu.memory_space<vmem>>)
      tpu.yield
    }) : () -> ()
    %get3A = arith.constant 0 : index
    %get3A_3 = tpu.vector_load %arg6[%get3A] {strides = array<i32>} : memref<384xi32, #tpu.memory_space<vmem>>, vector<16xi32>,
    %dma_start3A = arith.constant 0 : i32
    %dma_start3A_4 = tpu.memref_slice %arg7[%dma_start3A] : memref<384xi32, #tpu.memory_space<vmem>> -> memref<16xi32, #tpu.memory_space<vmem>>
    %dma_start3A_5 = arith.constant 0 : i32
    %dma_start3A_6 = tpu.memref_slice %arg3[%dma_start3A_5] : memref<10000xi32, #tpu.memory_space<hbm>> -> memref<10000xi32, #tpu.memory_space<hbm>>
    tpu.enqueue_indirect_dma source(%dma_start3A_6 : memref<10000xi32, #tpu.memory_space<hbm>>) target(%dma_start3A_4 : memref<16xi32, #tpu.memory_space<vmem>>) offsets(%get3A_3 : vector<16xi32>) semaphore(%arg9 : memref<!tpu.dma_semaphore, #tpu.memory_space<semaphore_mem>>)
    %get3A_7 = arith.constant 16 : index
    %get3A_8 = tpu.vector_load %arg6[%get3A_7] {strides = array<i32>} : memref<384xi32, #tpu.memory_space<vmem>>, vector<16xi32>,
    %dma_start3A_9 = arith.constant 16 : i32
    %dma_start3A_10 = tpu.memref_slice %arg7[%dma_start3A_9] : memref<384xi32, #tpu.memory_space<vmem>> -> memref<16xi32, #tpu.memory_space<vmem>>
    %dma_start3A_11 = arith.constant 0 : i32
    %dma_start3A_12 = tpu.memref_slice %arg3[%dma_start3A_11] : memref<10000xi32, #tpu.memory_space<hbm>> -> memref<10000xi32, #tpu.memory_space<hbm>>
    tpu.enqueue_indirect_dma source(%dma_start3A_12 : memref<10000xi32, #tpu.memory_space<hbm>>) target(%dma_start3A_10 : memref<16xi32, #tpu.memory_space<vmem>>) offsets(%get3A_8 : vector<16xi32>) semaphore(%arg9 : memref<!tpu.dma_semaphore, #tpu.memory_space<semaphore_mem>>)
    %get3A_13 = arith.constant 32 : index
    %get3A_14 = tpu.vector_load %arg6[%get3A_13] {strides = array<i32>} : memref<384xi32, #tpu.memory_space<vmem>>, vector<16xi32>,
    %dma_start3A_15 = arith.constant 32 : i32
    %dma_start3A_16 = tpu.memref_slice %arg7[%dma_start3A_15] : memref<384xi32, #tpu.memory_space<vmem>> -> memref<16xi32, #tpu.memory_space<vmem>>
    %dma_start3A_17 = arith.constant 0 : i32
    %dma_start3A_18 = tpu.memref_slice %arg3[%dma_start3A_17] : memref<10000xi32, #tpu.memory_space<hbm>> -> memref<10000xi32, #tpu.memory_space<hbm>>
    tpu.enqueue_indirect_dma source(%dma_start3A_18 : memref<10000xi32, #tpu.memory_space<hbm>>) target(%dma_start3A_16 : memref<16xi32, #tpu.memory_space<vmem>>) offsets(%get3A_14 : vector<16xi32>) semaphore(%arg9 : memref<!tpu.dma_semaphore, #tpu.memory_space<semaphore_mem>>)
    %get3A_19 = arith.constant 48 : index
    %get3A_20 = tpu.vector_load %arg6[%get3A_19] {strides = array<i32>} : memref<384xi32, #tpu.memory_space<vmem>>, vector<16xi32>,
    %dma_start3A_21 = arith.constant 48 : i32
    %dma_start3A_22 = tpu.memref_slice %arg7[%dma_start3A_21] : memref<384xi32, #tpu.memory_space<vmem>> -> memref<16xi32, #tpu.memory_space<vmem>>
    %dma_start3A_23 = arith.constant 0 : i32
    %dma_start3A_24 = tpu.memref_slice %arg3[%dma_start3A_23] : memref<10000xi32, #tpu.memory_space<hbm>> -> memref<10000xi32, #tpu.memory_space<hbm>>
    tpu.enqueue_indirect_dma source(%dma_start3A_24 : memref<10000xi32, #tpu.memory_space<hbm>>) target(%dma_start3A_22 : memref<16xi32, #tpu.memory_space<vmem>>) offsets(%get3A_20 : vector<16xi32>) semaphore(%arg9 : memref<!tpu.dma_semaphore, #tpu.memory_space<semaphore_mem>>)
    %get3A_25 = arith.constant 64 : index
    %get3A_26 = tpu.vector_load %arg6[%get3A_25] {strides = array<i32>} : memref<384xi32, #tpu.memory_space<vmem>>, vector<16xi32>,
    %dma_start3A_27 = arith.constant 64 : i32
    %dma_start3A_28 = tpu.memref_slice %arg7[%dma_start3A_27] : memref<384xi32, #tpu.memory_space<vmem>> -> memref<16xi32, #tpu.memory_space<vmem>>
    %dma_start3A_29 = arith.constant 0 : i32
    %dma_start3A_30 = tpu.memref_slice %arg3[%dma_start3A_29] : memref<10000xi32, #tpu.memory_space<hbm>> -> memref<10000xi32, #tpu.memory_space<hbm>>
    tpu.enqueue_indirect_dma source(%dma_start3A_30 : memref<10000xi32, #tpu.memory_space<hbm>>) target(%dma_start3A_28 : memref<16xi32, #tpu.memory_space<vmem>>) offsets(%get3A_26 : vector<16xi32>) semaphore(%arg9 : memref<!tpu.dma_semaphore, #tpu.memory_space<semaphore_mem>>)
    %get3A_31 = arith.constant 80 : index
    %get3A_32 = tpu.vector_load %arg6[%get3A_31] {strides = array<i32>} : memref<384xi32, #tpu.memory_space<vmem>>, vector<16xi32>,
    %dma_start3A_33 = arith.constant 80 : i32
    %dma_start3A_34 = tpu.memref_slice %arg7[%dma_start3A_33] : memref<384xi32, #tpu.memory_space<vmem>> -> memref<16xi32, #tpu.memory_space<vmem>>
    %dma_start3A_35 = arith.constant 0 : i32
    %dma_start3A_36 = tpu.memref_slice %arg3[%dma_start3A_35] : memref<10000xi32, #tpu.memory_space<hbm>> -> memref<10000xi32, #tpu.memory_space<hbm>>
    tpu.enqueue_indirect_dma source(%dma_start3A_36 : memref<10000xi32, #tpu.memory_space<hbm>>) target(%dma_start3A_34 : memref<16xi32, #tpu.memory_space<vmem>>) offsets(%get3A_32 : vector<16xi32>) semaphore(%arg9 : memref<!tpu.dma_semaphore, #tpu.memory_space<semaphore_mem>>)
    %get3A_37 = arith.constant 96 : index
    %get3A_38 = tpu.vector_load %arg6[%get3A_37] {strides = array<i32>} : memref<384xi32, #tpu.memory_space<vmem>>, vector<16xi32>,
    %dma_start3A_39 = arith.constant 96 : i32
    %dma_start3A_40 = tpu.memref_slice %arg7[%dma_start3A_39] : memref<384xi32, #tpu.memory_space<vmem>> -> memref<16xi32, #tpu.memory_space<vmem>>
    %dma_start3A_41 = arith.constant 0 : i32
    %dma_start3A_42 = tpu.memref_slice %arg3[%dma_start3A_41] : memref<10000xi32, #tpu.memory_space<hbm>> -> memref<10000xi32, #tpu.memory_space<hbm>>
    tpu.enqueue_indirect_dma source(%dma_start3A_42 : memref<10000xi32, #tpu.memory_space<hbm>>) target(%dma_start3A_40 : memref<16xi32, #tpu.memory_space<vmem>>) offsets(%get3A_38 : vector<16xi32>) semaphore(%arg9 : memref<!tpu.dma_semaphore, #tpu.memory_space<semaphore_mem>>)
    %get3A_43 = arith.constant 112 : index
    %get3A_44 = tpu.vector_load %arg6[%get3A_43] {strides = array<i32>} : memref<384xi32, #tpu.memory_space<vmem>>, vector<16xi32>,
    %dma_start3A_45 = arith.constant 112 : i32
    %dma_start3A_46 = tpu.memref_slice %arg7[%dma_start3A_45] : memref<384xi32, #tpu.memory_space<vmem>> -> memref<16xi32, #tpu.memory_space<vmem>>
    %dma_start3A_47 = arith.constant 0 : i32
    %dma_start3A_48 = tpu.memref_slice %arg3[%dma_start3A_47] : memref<10000xi32, #tpu.memory_space<hbm>> -> memref<10000xi32, #tpu.memory_space<hbm>>
    tpu.enqueue_indirect_dma source(%dma_start3A_48 : memref<10000xi32, #tpu.memory_space<hbm>>) target(%dma_start3A_46 : memref<16xi32, #tpu.memory_space<vmem>>) offsets(%get3A_44 : vector<16xi32>) semaphore(%arg9 : memref<!tpu.dma_semaphore, #tpu.memory_space<semaphore_mem>>)
    %get3A_49 = arith.constant 128 : index
    %get3A_50 = tpu.vector_load %arg6[%get3A_49] {strides = array<i32>} : memref<384xi32, #tpu.memory_space<vmem>>, vector<16xi32>,
    %dma_start3A_51 = arith.constant 128 : i32
    %dma_start3A_52 = tpu.memref_slice %arg7[%dma_start3A_51] : memref<384xi32, #tpu.memory_space<vmem>> -> memref<16xi32, #tpu.memory_space<vmem>>
    %dma_start3A_53 = arith.constant 0 : i32
    %dma_start3A_54 = tpu.memref_slice %arg3[%dma_start3A_53] : memref<10000xi32, #tpu.memory_space<hbm>> -> memref<10000xi32, #tpu.memory_space<hbm>>
    tpu.enqueue_indirect_dma source(%dma_start3A_54 : memref<10000xi32, #tpu.memory_space<hbm>>) target(%dma_start3A_52 : memref<16xi32, #tpu.memory_space<vmem>>) offsets(%get3A_50 : vector<16xi32>) semaphore(%arg9 : memref<!tpu.dma_semaphore, #tpu.memory_space<semaphore_mem>>)
    %get3A_55 = arith.constant 144 : index
    %get3A_56 = tpu.vector_load %arg6[%get3A_55] {strides = array<i32>} : memref<384xi32, #tpu.memory_space<vmem>>, vector<16xi32>,
    %dma_start3A_57 = arith.constant 144 : i32
    %dma_start3A_58 = tpu.memref_slice %arg7[%dma_start3A_57] : memref<384xi32, #tpu.memory_space<vmem>> -> memref<16xi32, #tpu.memory_space<vmem>>
    %dma_start3A_59 = arith.constant 0 : i32
    %dma_start3A_60 = tpu.memref_slice %arg3[%dma_start3A_59] : memref<10000xi32, #tpu.memory_space<hbm>> -> memref<10000xi32, #tpu.memory_space<hbm>>
    tpu.enqueue_indirect_dma source(%dma_start3A_60 : memref<10000xi32, #tpu.memory_space<hbm>>) target(%dma_start3A_58 : memref<16xi32, #tpu.memory_space<vmem>>) offsets(%get3A_56 : vector<16xi32>) semaphore(%arg9 : memref<!tpu.dma_semaphore, #tpu.memory_space<semaphore_mem>>)
    %get3A_61 = arith.constant 160 : index
    %get3A_62 = tpu.vector_load %arg6[%get3A_61] {strides = array<i32>} : memref<384xi32, #tpu.memory_space<vmem>>, vector<16xi32>,
    %dma_start3A_63 = arith.constant 160 : i32
    %dma_start3A_64 = tpu.memref_slice %arg7[%dma_start3A_63] : memref<384xi32, #tpu.memory_space<vmem>> -> memref<16xi32, #tpu.memory_space<vmem>>
    %dma_start3A_65 = arith.constant 0 : i32
    %dma_start3A_66 = tpu.memref_slice %arg3[%dma_start3A_65] : memref<10000xi32, #tpu.memory_space<hbm>> -> memref<10000xi32, #tpu.memory_space<hbm>>
    tpu.enqueue_indirect_dma source(%dma_start3A_66 : memref<10000xi32, #tpu.memory_space<hbm>>) target(%dma_start3A_64 : memref<16xi32, #tpu.memory_space<vmem>>) offsets(%get3A_62 : vector<16xi32>) semaphore(%arg9 : memref<!tpu.dma_semaphore, #tpu.memory_space<semaphore_mem>>)
    %get3A_67 = arith.constant 176 : index
    %get3A_68 = tpu.vector_load %arg6[%get3A_67] {strides = array<i32>} : memref<384xi32, #tpu.memory_space<vmem>>, vector<16xi32>,
    %dma_start3A_69 = arith.constant 176 : i32
    %dma_start3A_70 = tpu.memref_slice %arg7[%dma_start3A_69] : memref<384xi32, #tpu.memory_space<vmem>> -> memref<16xi32, #tpu.memory_space<vmem>>
    %dma_start3A_71 = arith.constant 0 : i32
    %dma_start3A_72 = tpu.memref_slice %arg3[%dma_start3A_71] : memref<10000xi32, #tpu.memory_space<hbm>> -> memref<10000xi32, #tpu.memory_space<hbm>>
    tpu.enqueue_indirect_dma source(%dma_start3A_72 : memref<10000xi32, #tpu.memory_space<hbm>>) target(%dma_start3A_70 : memref<16xi32, #tpu.memory_space<vmem>>) offsets(%get3A_68 : vector<16xi32>) semaphore(%arg9 : memref<!tpu.dma_semaphore, #tpu.memory_space<semaphore_mem>>)
    %get3A_73 = arith.constant 192 : index
    %get3A_74 = tpu.vector_load %arg6[%get3A_73] {strides = array<i32>} : memref<384xi32, #tpu.memory_space<vmem>>, vector<16xi32>,
    %dma_start3A_75 = arith.constant 192 : i32
    %dma_start3A_76 = tpu.memref_slice %arg7[%dma_start3A_75] : memref<384xi32, #tpu.memory_space<vmem>> -> memref<16xi32, #tpu.memory_space<vmem>>
    %dma_start3A_77 = arith.constant 0 : i32
    %dma_start3A_78 = tpu.memref_slice %arg3[%dma_start3A_77] : memref<10000xi32, #tpu.memory_space<hbm>> -> memref<10000xi32, #tpu.memory_space<hbm>>
    tpu.enqueue_indirect_dma source(%dma_start3A_78 : memref<10000xi32, #tpu.memory_space<hbm>>) target(%dma_start3A_76 : memref<16xi32, #tpu.memory_space<vmem>>) offsets(%get3A_74 : vector<16xi32>) semaphore(%arg9 : memref<!tpu.dma_semaphore, #tpu.memory_space<semaphore_mem>>)
    %get3A_79 = arith.constant 208 : index
    %get3A_80 = tpu.vector_load %arg6[%get3A_79] {strides = array<i32>} : memref<384xi32, #tpu.memory_space<vmem>>, vector<16xi32>,
    %dma_start3A_81 = arith.constant 208 : i32
    %dma_start3A_82 = tpu.memref_slice %arg7[%dma_start3A_81] : memref<384xi32, #tpu.memory_space<vmem>> -> memref<16xi32, #tpu.memory_space<vmem>>
    %dma_start3A_83 = arith.constant 0 : i32
    %dma_start3A_84 = tpu.memref_slice %arg3[%dma_start3A_83] : memref<10000xi32, #tpu.memory_space<hbm>> -> memref<10000xi32, #tpu.memory_space<hbm>>
    tpu.enqueue_indirect_dma source(%dma_start3A_84 : memref<10000xi32, #tpu.memory_space<hbm>>) target(%dma_start3A_82 : memref<16xi32, #tpu.memory_space<vmem>>) offsets(%get3A_80 : vector<16xi32>) semaphore(%arg9 : memref<!tpu.dma_semaphore, #tpu.memory_space<semaphore_mem>>)
    %get3A_85 = arith.constant 224 : index
    %get3A_86 = tpu.vector_load %arg6[%get3A_85] {strides = array<i32>} : memref<384xi32, #tpu.memory_space<vmem>>, vector<16xi32>,
    %dma_start3A_87 = arith.constant 224 : i32
    %dma_start3A_88 = tpu.memref_slice %arg7[%dma_start3A_87] : memref<384xi32, #tpu.memory_space<vmem>> -> memref<16xi32, #tpu.memory_space<vmem>>
    %dma_start3A_89 = arith.constant 0 : i32
    %dma_start3A_90 = tpu.memref_slice %arg3[%dma_start3A_89] : memref<10000xi32, #tpu.memory_space<hbm>> -> memref<10000xi32, #tpu.memory_space<hbm>>
    tpu.enqueue_indirect_dma source(%dma_start3A_90 : memref<10000xi32, #tpu.memory_space<hbm>>) target(%dma_start3A_88 : memref<16xi32, #tpu.memory_space<vmem>>) offsets(%get3A_86 : vector<16xi32>) semaphore(%arg9 : memref<!tpu.dma_semaphore, #tpu.memory_space<semaphore_mem>>)
    %get3A_91 = arith.constant 240 : index
    %get3A_92 = tpu.vector_load %arg6[%get3A_91] {strides = array<i32>} : memref<384xi32, #tpu.memory_space<vmem>>, vector<16xi32>,
    %dma_start3A_93 = arith.constant 240 : i32
    %dma_start3A_94 = tpu.memref_slice %arg7[%dma_start3A_93] : memref<384xi32, #tpu.memory_space<vmem>> -> memref<16xi32, #tpu.memory_space<vmem>>
    %dma_start3A_95 = arith.constant 0 : i32
    %dma_start3A_96 = tpu.memref_slice %arg3[%dma_start3A_95] : memref<10000xi32, #tpu.memory_space<hbm>> -> memref<10000xi32, #tpu.memory_space<hbm>>
    tpu.enqueue_indirect_dma source(%dma_start3A_96 : memref<10000xi32, #tpu.memory_space<hbm>>) target(%dma_start3A_94 : memref<16xi32, #tpu.memory_space<vmem>>) offsets(%get3A_92 : vector<16xi32>) semaphore(%arg9 : memref<!tpu.dma_semaphore, #tpu.memory_space<semaphore_mem>>)
    %get3A_97 = arith.constant 256 : index
    %get3A_98 = tpu.vector_load %arg6[%get3A_97] {strides = array<i32>} : memref<384xi32, #tpu.memory_space<vmem>>, vector<16xi32>,
    %dma_start3A_99 = arith.constant 256 : i32
    %dma_start3A_100 = tpu.memref_slice %arg7[%dma_start3A_99] : memref<384xi32, #tpu.memory_space<vmem>> -> memref<16xi32, #tpu.memory_space<vmem>>
    %dma_start3A_101 = arith.constant 0 : i32
    %dma_start3A_102 = tpu.memref_slice %arg3[%dma_start3A_101] : memref<10000xi32, #tpu.memory_space<hbm>> -> memref<10000xi32, #tpu.memory_space<hbm>>
    tpu.enqueue_indirect_dma source(%dma_start3A_102 : memref<10000xi32, #tpu.memory_space<hbm>>) target(%dma_start3A_100 : memref<16xi32, #tpu.memory_space<vmem>>) offsets(%get3A_98 : vector<16xi32>) semaphore(%arg9 : memref<!tpu.dma_semaphore, #tpu.memory_space<semaphore_mem>>)
    %get3A_103 = arith.constant 272 : index
    %get3A_104 = tpu.vector_load %arg6[%get3A_103] {strides = array<i32>} : memref<384xi32, #tpu.memory_space<vmem>>, vector<16xi32>,
    %dma_start3A_105 = arith.constant 272 : i32
    %dma_start3A_106 = tpu.memref_slice %arg7[%dma_start3A_105] : memref<384xi32, #tpu.memory_space<vmem>> -> memref<16xi32, #tpu.memory_space<vmem>>
    %dma_start3A_107 = arith.constant 0 : i32
    %dma_start3A_108 = tpu.memref_slice %arg3[%dma_start3A_107] : memref<10000xi32, #tpu.memory_space<hbm>> -> memref<10000xi32, #tpu.memory_space<hbm>>
    tpu.enqueue_indirect_dma source(%dma_start3A_108 : memref<10000xi32, #tpu.memory_space<hbm>>) target(%dma_start3A_106 : memref<16xi32, #tpu.memory_space<vmem>>) offsets(%get3A_104 : vector<16xi32>) semaphore(%arg9 : memref<!tpu.dma_semaphore, #tpu.memory_space<semaphore_mem>>)
    %get3A_109 = arith.constant 288 : index
    %get3A_110 = tpu.vector_load %arg6[%get3A_109] {strides = array<i32>} : memref<384xi32, #tpu.memory_space<vmem>>, vector<16xi32>,
    %dma_start3A_111 = arith.constant 288 : i32
    %dma_start3A_112 = tpu.memref_slice %arg7[%dma_start3A_111] : memref<384xi32, #tpu.memory_space<vmem>> -> memref<16xi32, #tpu.memory_space<vmem>>
    %dma_start3A_113 = arith.constant 0 : i32
    %dma_start3A_114 = tpu.memref_slice %arg3[%dma_start3A_113] : memref<10000xi32, #tpu.memory_space<hbm>> -> memref<10000xi32, #tpu.memory_space<hbm>>
    tpu.enqueue_indirect_dma source(%dma_start3A_114 : memref<10000xi32, #tpu.memory_space<hbm>>) target(%dma_start3A_112 : memref<16xi32, #tpu.memory_space<vmem>>) offsets(%get3A_110 : vector<16xi32>) semaphore(%arg9 : memref<!tpu.dma_semaphore, #tpu.memory_space<semaphore_mem>>)
    %get3A_115 = arith.constant 304 : index
    %get3A_116 = tpu.vector_load %arg6[%get3A_115] {strides = array<i32>} : memref<384xi32, #tpu.memory_space<vmem>>, vector<16xi32>,
    %dma_start3A_117 = arith.constant 304 : i32
    %dma_start3A_118 = tpu.memref_slice %arg7[%dma_start3A_117] : memref<384xi32, #tpu.memory_space<vmem>> -> memref<16xi32, #tpu.memory_space<vmem>>
    %dma_start3A_119 = arith.constant 0 : i32
    %dma_start3A_120 = tpu.memref_slice %arg3[%dma_start3A_119] : memref<10000xi32, #tpu.memory_space<hbm>> -> memref<10000xi32, #tpu.memory_space<hbm>>
    tpu.enqueue_indirect_dma source(%dma_start3A_120 : memref<10000xi32, #tpu.memory_space<hbm>>) target(%dma_start3A_118 : memref<16xi32, #tpu.memory_space<vmem>>) offsets(%get3A_116 : vector<16xi32>) semaphore(%arg9 : memref<!tpu.dma_semaphore, #tpu.memory_space<semaphore_mem>>)
    %get3A_121 = arith.constant 320 : index
    %get3A_122 = tpu.vector_load %arg6[%get3A_121] {strides = array<i32>} : memref<384xi32, #tpu.memory_space<vmem>>, vector<16xi32>,
    %dma_start3A_123 = arith.constant 320 : i32
    %dma_start3A_124 = tpu.memref_slice %arg7[%dma_start3A_123] : memref<384xi32, #tpu.memory_space<vmem>> -> memref<16xi32, #tpu.memory_space<vmem>>
    %dma_start3A_125 = arith.constant 0 : i32
    %dma_start3A_126 = tpu.memref_slice %arg3[%dma_start3A_125] : memref<10000xi32, #tpu.memory_space<hbm>> -> memref<10000xi32, #tpu.memory_space<hbm>>
    tpu.enqueue_indirect_dma source(%dma_start3A_126 : memref<10000xi32, #tpu.memory_space<hbm>>) target(%dma_start3A_124 : memref<16xi32, #tpu.memory_space<vmem>>) offsets(%get3A_122 : vector<16xi32>) semaphore(%arg9 : memref<!tpu.dma_semaphore, #tpu.memory_space<semaphore_mem>>)
    %get3A_127 = arith.constant 336 : index
    %get3A_128 = tpu.vector_load %arg6[%get3A_127] {strides = array<i32>} : memref<384xi32, #tpu.memory_space<vmem>>, vector<16xi32>,
    %dma_start3A_129 = arith.constant 336 : i32
    %dma_start3A_130 = tpu.memref_slice %arg7[%dma_start3A_129] : memref<384xi32, #tpu.memory_space<vmem>> -> memref<16xi32, #tpu.memory_space<vmem>>
    %dma_start3A_131 = arith.constant 0 : i32
    %dma_start3A_132 = tpu.memref_slice %arg3[%dma_start3A_131] : memref<10000xi32, #tpu.memory_space<hbm>> -> memref<10000xi32, #tpu.memory_space<hbm>>
    tpu.enqueue_indirect_dma source(%dma_start3A_132 : memref<10000xi32, #tpu.memory_space<hbm>>) target(%dma_start3A_130 : memref<16xi32, #tpu.memory_space<vmem>>) offsets(%get3A_128 : vector<16xi32>) semaphore(%arg9 : memref<!tpu.dma_semaphore, #tpu.memory_space<semaphore_mem>>)
    %get3A_133 = arith.constant 352 : index
    %get3A_134 = tpu.vector_load %arg6[%get3A_133] {strides = array<i32>} : memref<384xi32, #tpu.memory_space<vmem>>, vector<16xi32>,
    %dma_start3A_135 = arith.constant 352 : i32
    %dma_start3A_136 = tpu.memref_slice %arg7[%dma_start3A_135] : memref<384xi32, #tpu.memory_space<vmem>> -> memref<16xi32, #tpu.memory_space<vmem>>
    %dma_start3A_137 = arith.constant 0 : i32
    %dma_start3A_138 = tpu.memref_slice %arg3[%dma_start3A_137] : memref<10000xi32, #tpu.memory_space<hbm>> -> memref<10000xi32, #tpu.memory_space<hbm>>
    tpu.enqueue_indirect_dma source(%dma_start3A_138 : memref<10000xi32, #tpu.memory_space<hbm>>) target(%dma_start3A_136 : memref<16xi32, #tpu.memory_space<vmem>>) offsets(%get3A_134 : vector<16xi32>) semaphore(%arg9 : memref<!tpu.dma_semaphore, #tpu.memory_space<semaphore_mem>>)
    %get3A_139 = arith.constant 368 : index
    %get3A_140 = tpu.vector_load %arg6[%get3A_139] {strides = array<i32>} : memref<384xi32, #tpu.memory_space<vmem>>, vector<16xi32>,
    %dma_start3A_141 = arith.constant 368 : i32
    %dma_start3A_142 = tpu.memref_slice %arg7[%dma_start3A_141] : memref<384xi32, #tpu.memory_space<vmem>> -> memref<16xi32, #tpu.memory_space<vmem>>
    %dma_start3A_143 = arith.constant 0 : i32
    %dma_start3A_144 = tpu.memref_slice %arg3[%dma_start3A_143] : memref<10000xi32, #tpu.memory_space<hbm>> -> memref<10000xi32, #tpu.memory_space<hbm>>
    tpu.enqueue_indirect_dma source(%dma_start3A_144 : memref<10000xi32, #tpu.memory_space<hbm>>) target(%dma_start3A_142 : memref<16xi32, #tpu.memory_space<vmem>>) offsets(%get3A_140 : vector<16xi32>) semaphore(%arg9 : memref<!tpu.dma_semaphore, #tpu.memory_space<semaphore_mem>>)
    %dma_wait3A = arith.constant 0 : i32
    %dma_wait3A_145 = tpu.memref_slice %arg7[%dma_wait3A] : memref<384xi32, #tpu.memory_space<vmem>> -> memref<16xi32, #tpu.memory_space<vmem>>
    %dma_wait3A_146 = arith.constant 0 : i32
    %dma_wait3A_147 = tpu.memref_slice %arg3[%dma_wait3A_146] : memref<10000xi32, #tpu.memory_space<hbm>> -> memref<10000xi32, #tpu.memory_space<hbm>>
    tpu.wait_indirect_dma semaphore(%arg9 : memref<!tpu.dma_semaphore, #tpu.memory_space<semaphore_mem>>) src(%dma_wait3A_147 : memref<10000xi32, #tpu.memory_space<hbm>>) dst(%dma_wait3A_145 : memref<16xi32, #tpu.memory_space<vmem>>)
    %dma_wait3A_148 = arith.constant 16 : i32
    %dma_wait3A_149 = tpu.memref_slice %arg7[%dma_wait3A_148] : memref<384xi32, #tpu.memory_space<vmem>> -> memref<16xi32, #tpu.memory_space<vmem>>
    %dma_wait3A_150 = arith.constant 0 : i32
    %dma_wait3A_151 = tpu.memref_slice %arg3[%dma_wait3A_150] : memref<10000xi32, #tpu.memory_space<hbm>> -> memref<10000xi32, #tpu.memory_space<hbm>>
    tpu.wait_indirect_dma semaphore(%arg9 : memref<!tpu.dma_semaphore, #tpu.memory_space<semaphore_mem>>) src(%dma_wait3A_151 : memref<10000xi32, #tpu.memory_space<hbm>>) dst(%dma_wait3A_149 : memref<16xi32, #tpu.memory_space<vmem>>)
    %dma_wait3A_152 = arith.constant 32 : i32
    %dma_wait3A_153 = tpu.memref_slice %arg7[%dma_wait3A_152] : memref<384xi32, #tpu.memory_space<vmem>> -> memref<16xi32, #tpu.memory_space<vmem>>
    %dma_wait3A_154 = arith.constant 0 : i32
    %dma_wait3A_155 = tpu.memref_slice %arg3[%dma_wait3A_154] : memref<10000xi32, #tpu.memory_space<hbm>> -> memref<10000xi32, #tpu.memory_space<hbm>>
    tpu.wait_indirect_dma semaphore(%arg9 : memref<!tpu.dma_semaphore, #tpu.memory_space<semaphore_mem>>) src(%dma_wait3A_155 : memref<10000xi32, #tpu.memory_space<hbm>>) dst(%dma_wait3A_153 : memref<16xi32, #tpu.memory_space<vmem>>)
    %dma_wait3A_156 = arith.constant 48 : i32
    %dma_wait3A_157 = tpu.memref_slice %arg7[%dma_wait3A_156] : memref<384xi32, #tpu.memory_space<vmem>> -> memref<16xi32, #tpu.memory_space<vmem>>
    %dma_wait3A_158 = arith.constant 0 : i32
    %dma_wait3A_159 = tpu.memref_slice %arg3[%dma_wait3A_158] : memref<10000xi32, #tpu.memory_space<hbm>> -> memref<10000xi32, #tpu.memory_space<hbm>>
    tpu.wait_indirect_dma semaphore(%arg9 : memref<!tpu.dma_semaphore, #tpu.memory_space<semaphore_mem>>) src(%dma_wait3A_159 : memref<10000xi32, #tpu.memory_space<hbm>>) dst(%dma_wait3A_157 : memref<16xi32, #tpu.memory_space<vmem>>)
    %dma_wait3A_160 = arith.constant 64 : i32
    %dma_wait3A_161 = tpu.memref_slice %arg7[%dma_wait3A_160] : memref<384xi32, #tpu.memory_space<vmem>> -> memref<16xi32, #tpu.memory_space<vmem>>
    %dma_wait3A_162 = arith.constant 0 : i32
    %dma_wait3A_163 = tpu.memref_slice %arg3[%dma_wait3A_162] : memref<10000xi32, #tpu.memory_space<hbm>> -> memref<10000xi32, #tpu.memory_space<hbm>>
    tpu.wait_indirect_dma semaphore(%arg9 : memref<!tpu.dma_semaphore, #tpu.memory_space<semaphore_mem>>) src(%dma_wait3A_163 : memref<10000xi32, #tpu.memory_space<hbm>>) dst(%dma_wait3A_161 : memref<16xi32, #tpu.memory_space<vmem>>)
    %dma_wait3A_164 = arith.constant 80 : i32
    %dma_wait3A_165 = tpu.memref_slice %arg7[%dma_wait3A_164] : memref<384xi32, #tpu.memory_space<vmem>> -> memref<16xi32, #tpu.memory_space<vmem>>
    %dma_wait3A_166 = arith.constant 0 : i32
    %dma_wait3A_167 = tpu.memref_slice %arg3[%dma_wait3A_166] : memref<10000xi32, #tpu.memory_space<hbm>> -> memref<10000xi32, #tpu.memory_space<hbm>>
    tpu.wait_indirect_dma semaphore(%arg9 : memref<!tpu.dma_semaphore, #tpu.memory_space<semaphore_mem>>) src(%dma_wait3A_167 : memref<10000xi32, #tpu.memory_space<hbm>>) dst(%dma_wait3A_165 : memref<16xi32, #tpu.memory_space<vmem>>)
    %dma_wait3A_168 = arith.constant 96 : i32
    %dma_wait3A_169 = tpu.memref_slice %arg7[%dma_wait3A_168] : memref<384xi32, #tpu.memory_space<vmem>> -> memref<16xi32, #tpu.memory_space<vmem>>
    %dma_wait3A_170 = arith.constant 0 : i32
    %dma_wait3A_171 = tpu.memref_slice %arg3[%dma_wait3A_170] : memref<10000xi32, #tpu.memory_space<hbm>> -> memref<10000xi32, #tpu.memory_space<hbm>>
    tpu.wait_indirect_dma semaphore(%arg9 : memref<!tpu.dma_semaphore, #tpu.memory_space<semaphore_mem>>) src(%dma_wait3A_171 : memref<10000xi32, #tpu.memory_space<hbm>>) dst(%dma_wait3A_169 : memref<16xi32, #tpu.memory_space<vmem>>)
    %dma_wait3A_172 = arith.constant 112 : i32
    %dma_wait3A_173 = tpu.memref_slice %arg7[%dma_wait3A_172] : memref<384xi32, #tpu.memory_space<vmem>> -> memref<16xi32, #tpu.memory_space<vmem>>
    %dma_wait3A_174 = arith.constant 0 : i32
    %dma_wait3A_175 = tpu.memref_slice %arg3[%dma_wait3A_174] : memref<10000xi32, #tpu.memory_space<hbm>> -> memref<10000xi32, #tpu.memory_space<hbm>>
    tpu.wait_indirect_dma semaphore(%arg9 : memref<!tpu.dma_semaphore, #tpu.memory_space<semaphore_mem>>) src(%dma_wait3A_175 : memref<10000xi32, #tpu.memory_space<hbm>>) dst(%dma_wait3A_173 : memref<16xi32, #tpu.memory_space<vmem>>)
    %dma_wait3A_176 = arith.constant 128 : i32
    %dma_wait3A_177 = tpu.memref_slice %arg7[%dma_wait3A_176] : memref<384xi32, #tpu.memory_space<vmem>> -> memref<16xi32, #tpu.memory_space<vmem>>
    %dma_wait3A_178 = arith.constant 0 : i32
    %dma_wait3A_179 = tpu.memref_slice %arg3[%dma_wait3A_178] : memref<10000xi32, #tpu.memory_space<hbm>> -> memref<10000xi32, #tpu.memory_space<hbm>>
    tpu.wait_indirect_dma semaphore(%arg9 : memref<!tpu.dma_semaphore, #tpu.memory_space<semaphore_mem>>) src(%dma_wait3A_179 : memref<10000xi32, #tpu.memory_space<hbm>>) dst(%dma_wait3A_177 : memref<16xi32, #tpu.memory_space<vmem>>)
    %dma_wait3A_180 = arith.constant 144 : i32
    %dma_wait3A_181 = tpu.memref_slice %arg7[%dma_wait3A_180] : memref<384xi32, #tpu.memory_space<vmem>> -> memref<16xi32, #tpu.memory_space<vmem>>
    %dma_wait3A_182 = arith.constant 0 : i32
    %dma_wait3A_183 = tpu.memref_slice %arg3[%dma_wait3A_182] : memref<10000xi32, #tpu.memory_space<hbm>> -> memref<10000xi32, #tpu.memory_space<hbm>>
    tpu.wait_indirect_dma semaphore(%arg9 : memref<!tpu.dma_semaphore, #tpu.memory_space<semaphore_mem>>) src(%dma_wait3A_183 : memref<10000xi32, #tpu.memory_space<hbm>>) dst(%dma_wait3A_181 : memref<16xi32, #tpu.memory_space<vmem>>)
    %dma_wait3A_184 = arith.constant 160 : i32
    %dma_wait3A_185 = tpu.memref_slice %arg7[%dma_wait3A_184] : memref<384xi32, #tpu.memory_space<vmem>> -> memref<16xi32, #tpu.memory_space<vmem>>
    %dma_wait3A_186 = arith.constant 0 : i32
    %dma_wait3A_187 = tpu.memref_slice %arg3[%dma_wait3A_186] : memref<10000xi32, #tpu.memory_space<hbm>> -> memref<10000xi32, #tpu.memory_space<hbm>>
    tpu.wait_indirect_dma semaphore(%arg9 : memref<!tpu.dma_semaphore, #tpu.memory_space<semaphore_mem>>) src(%dma_wait3A_187 : memref<10000xi32, #tpu.memory_space<hbm>>) dst(%dma_wait3A_185 : memref<16xi32, #tpu.memory_space<vmem>>)
    %dma_wait3A_188 = arith.constant 176 : i32
    %dma_wait3A_189 = tpu.memref_slice %arg7[%dma_wait3A_188] : memref<384xi32, #tpu.memory_space<vmem>> -> memref<16xi32, #tpu.memory_space<vmem>>
    %dma_wait3A_190 = arith.constant 0 : i32
    %dma_wait3A_191 = tpu.memref_slice %arg3[%dma_wait3A_190] : memref<10000xi32, #tpu.memory_space<hbm>> -> memref<10000xi32, #tpu.memory_space<hbm>>
    tpu.wait_indirect_dma semaphore(%arg9 : memref<!tpu.dma_semaphore, #tpu.memory_space<semaphore_mem>>) src(%dma_wait3A_191 : memref<10000xi32, #tpu.memory_space<hbm>>) dst(%dma_wait3A_189 : memref<16xi32, #tpu.memory_space<vmem>>)
    %dma_wait3A_192 = arith.constant 192 : i32
    %dma_wait3A_193 = tpu.memref_slice %arg7[%dma_wait3A_192] : memref<384xi32, #tpu.memory_space<vmem>> -> memref<16xi32, #tpu.memory_space<vmem>>
    %dma_wait3A_194 = arith.constant 0 : i32
    %dma_wait3A_195 = tpu.memref_slice %arg3[%dma_wait3A_194] : memref<10000xi32, #tpu.memory_space<hbm>> -> memref<10000xi32, #tpu.memory_space<hbm>>
    tpu.wait_indirect_dma semaphore(%arg9 : memref<!tpu.dma_semaphore, #tpu.memory_space<semaphore_mem>>) src(%dma_wait3A_195 : memref<10000xi32, #tpu.memory_space<hbm>>) dst(%dma_wait3A_193 : memref<16xi32, #tpu.memory_space<vmem>>)
    %dma_wait3A_196 = arith.constant 208 : i32
    %dma_wait3A_197 = tpu.memref_slice %arg7[%dma_wait3A_196] : memref<384xi32, #tpu.memory_space<vmem>> -> memref<16xi32, #tpu.memory_space<vmem>>
    %dma_wait3A_198 = arith.constant 0 : i32
    %dma_wait3A_199 = tpu.memref_slice %arg3[%dma_wait3A_198] : memref<10000xi32, #tpu.memory_space<hbm>> -> memref<10000xi32, #tpu.memory_space<hbm>>
    tpu.wait_indirect_dma semaphore(%arg9 : memref<!tpu.dma_semaphore, #tpu.memory_space<semaphore_mem>>) src(%dma_wait3A_199 : memref<10000xi32, #tpu.memory_space<hbm>>) dst(%dma_wait3A_197 : memref<16xi32, #tpu.memory_space<vmem>>)
    %dma_wait3A_200 = arith.constant 224 : i32
    %dma_wait3A_201 = tpu.memref_slice %arg7[%dma_wait3A_200] : memref<384xi32, #tpu.memory_space<vmem>> -> memref<16xi32, #tpu.memory_space<vmem>>
    %dma_wait3A_202 = arith.constant 0 : i32
    %dma_wait3A_203 = tpu.memref_slice %arg3[%dma_wait3A_202] : memref<10000xi32, #tpu.memory_space<hbm>> -> memref<10000xi32, #tpu.memory_space<hbm>>
    tpu.wait_indirect_dma semaphore(%arg9 : memref<!tpu.dma_semaphore, #tpu.memory_space<semaphore_mem>>) src(%dma_wait3A_203 : memref<10000xi32, #tpu.memory_space<hbm>>) dst(%dma_wait3A_201 : memref<16xi32, #tpu.memory_space<vmem>>)
    %dma_wait3A_204 = arith.constant 240 : i32
    %dma_wait3A_205 = tpu.memref_slice %arg7[%dma_wait3A_204] : memref<384xi32, #tpu.memory_space<vmem>> -> memref<16xi32, #tpu.memory_space<vmem>>
    %dma_wait3A_206 = arith.constant 0 : i32
    %dma_wait3A_207 = tpu.memref_slice %arg3[%dma_wait3A_206] : memref<10000xi32, #tpu.memory_space<hbm>> -> memref<10000xi32, #tpu.memory_space<hbm>>
    tpu.wait_indirect_dma semaphore(%arg9 : memref<!tpu.dma_semaphore, #tpu.memory_space<semaphore_mem>>) src(%dma_wait3A_207 : memref<10000xi32, #tpu.memory_space<hbm>>) dst(%dma_wait3A_205 : memref<16xi32, #tpu.memory_space<vmem>>)
    %dma_wait3A_208 = arith.constant 256 : i32
    %dma_wait3A_209 = tpu.memref_slice %arg7[%dma_wait3A_208] : memref<384xi32, #tpu.memory_space<vmem>> -> memref<16xi32, #tpu.memory_space<vmem>>
    %dma_wait3A_210 = arith.constant 0 : i32
    %dma_wait3A_211 = tpu.memref_slice %arg3[%dma_wait3A_210] : memref<10000xi32, #tpu.memory_space<hbm>> -> memref<10000xi32, #tpu.memory_space<hbm>>
    tpu.wait_indirect_dma semaphore(%arg9 : memref<!tpu.dma_semaphore, #tpu.memory_space<semaphore_mem>>) src(%dma_wait3A_211 : memref<10000xi32, #tpu.memory_space<hbm>>) dst(%dma_wait3A_209 : memref<16xi32, #tpu.memory_space<vmem>>)
    %dma_wait3A_212 = arith.constant 272 : i32
    %dma_wait3A_213 = tpu.memref_slice %arg7[%dma_wait3A_212] : memref<384xi32, #tpu.memory_space<vmem>> -> memref<16xi32, #tpu.memory_space<vmem>>
    %dma_wait3A_214 = arith.constant 0 : i32
    %dma_wait3A_215 = tpu.memref_slice %arg3[%dma_wait3A_214] : memref<10000xi32, #tpu.memory_space<hbm>> -> memref<10000xi32, #tpu.memory_space<hbm>>
    tpu.wait_indirect_dma semaphore(%arg9 : memref<!tpu.dma_semaphore, #tpu.memory_space<semaphore_mem>>) src(%dma_wait3A_215 : memref<10000xi32, #tpu.memory_space<hbm>>) dst(%dma_wait3A_213 : memref<16xi32, #tpu.memory_space<vmem>>)
    %dma_wait3A_216 = arith.constant 288 : i32
    %dma_wait3A_217 = tpu.memref_slice %arg7[%dma_wait3A_216] : memref<384xi32, #tpu.memory_space<vmem>> -> memref<16xi32, #tpu.memory_space<vmem>>
    %dma_wait3A_218 = arith.constant 0 : i32
    %dma_wait3A_219 = tpu.memref_slice %arg3[%dma_wait3A_218] : memref<10000xi32, #tpu.memory_space<hbm>> -> memref<10000xi32, #tpu.memory_space<hbm>>
    tpu.wait_indirect_dma semaphore(%arg9 : memref<!tpu.dma_semaphore, #tpu.memory_space<semaphore_mem>>) src(%dma_wait3A_219 : memref<10000xi32, #tpu.memory_space<hbm>>) dst(%dma_wait3A_217 : memref<16xi32, #tpu.memory_space<vmem>>)
    %dma_wait3A_220 = arith.constant 304 : i32
    %dma_wait3A_221 = tpu.memref_slice %arg7[%dma_wait3A_220] : memref<384xi32, #tpu.memory_space<vmem>> -> memref<16xi32, #tpu.memory_space<vmem>>
    %dma_wait3A_222 = arith.constant 0 : i32
    %dma_wait3A_223 = tpu.memref_slice %arg3[%dma_wait3A_222] : memref<10000xi32, #tpu.memory_space<hbm>> -> memref<10000xi32, #tpu.memory_space<hbm>>
    tpu.wait_indirect_dma semaphore(%arg9 : memref<!tpu.dma_semaphore, #tpu.memory_space<semaphore_mem>>) src(%dma_wait3A_223 : memref<10000xi32, #tpu.memory_space<hbm>>) dst(%dma_wait3A_221 : memref<16xi32, #tpu.memory_space<vmem>>)
    %dma_wait3A_224 = arith.constant 320 : i32
    %dma_wait3A_225 = tpu.memref_slice %arg7[%dma_wait3A_224] : memref<384xi32, #tpu.memory_space<vmem>> -> memref<16xi32, #tpu.memory_space<vmem>>
    %dma_wait3A_226 = arith.constant 0 : i32
    %dma_wait3A_227 = tpu.memref_slice %arg3[%dma_wait3A_226] : memref<10000xi32, #tpu.memory_space<hbm>> -> memref<10000xi32, #tpu.memory_space<hbm>>
    tpu.wait_indirect_dma semaphore(%arg9 : memref<!tpu.dma_semaphore, #tpu.memory_space<semaphore_mem>>) src(%dma_wait3A_227 : memref<10000xi32, #tpu.memory_space<hbm>>) dst(%dma_wait3A_225 : memref<16xi32, #tpu.memory_space<vmem>>)
    %dma_wait3A_228 = arith.constant 336 : i32
    %dma_wait3A_229 = tpu.memref_slice %arg7[%dma_wait3A_228] : memref<384xi32, #tpu.memory_space<vmem>> -> memref<16xi32, #tpu.memory_space<vmem>>
    %dma_wait3A_230 = arith.constant 0 : i32
    %dma_wait3A_231 = tpu.memref_slice %arg3[%dma_wait3A_230] : memref<10000xi32, #tpu.memory_space<hbm>> -> memref<10000xi32, #tpu.memory_space<hbm>>
    tpu.wait_indirect_dma semaphore(%arg9 : memref<!tpu.dma_semaphore, #tpu.memory_space<semaphore_mem>>) src(%dma_wait3A_231 : memref<10000xi32, #tpu.memory_space<hbm>>) dst(%dma_wait3A_229 : memref<16xi32, #tpu.memory_space<vmem>>)
    %dma_wait3A_232 = arith.constant 352 : i32
    %dma_wait3A_233 = tpu.memref_slice %arg7[%dma_wait3A_232] : memref<384xi32, #tpu.memory_space<vmem>> -> memref<16xi32, #tpu.memory_space<vmem>>
    %dma_wait3A_234 = arith.constant 0 : i32
    %dma_wait3A_235 = tpu.memref_slice %arg3[%dma_wait3A_234] : memref<10000xi32, #tpu.memory_space<hbm>> -> memref<10000xi32, #tpu.memory_space<hbm>>
    tpu.wait_indirect_dma semaphore(%arg9 : memref<!tpu.dma_semaphore, #tpu.memory_space<semaphore_mem>>) src(%dma_wait3A_235 : memref<10000xi32, #tpu.memory_space<hbm>>) dst(%dma_wait3A_233 : memref<16xi32, #tpu.memory_space<vmem>>)
    %dma_wait3A_236 = arith.constant 368 : i32
    %dma_wait3A_237 = tpu.memref_slice %arg7[%dma_wait3A_236] : memref<384xi32, #tpu.memory_space<vmem>> -> memref<16xi32, #tpu.memory_space<vmem>>
    %dma_wait3A_238 = arith.constant 0 : i32
    %dma_wait3A_239 = tpu.memref_slice %arg3[%dma_wait3A_238] : memref<10000xi32, #tpu.memory_space<hbm>> -> memref<10000xi32, #tpu.memory_space<hbm>>
    tpu.wait_indirect_dma semaphore(%arg9 : memref<!tpu.dma_semaphore, #tpu.memory_space<semaphore_mem>>) src(%dma_wait3A_239 : memref<10000xi32, #tpu.memory_space<hbm>>) dst(%dma_wait3A_237 : memref<16xi32, #tpu.memory_space<vmem>>)
    %get3A_240 = arith.constant 0 : index
    %get3A_241 = tpu.vector_load %arg7[%get3A_240] {strides = array<i32>} : memref<384xi32, #tpu.memory_space<vmem>>, vector<16xi32>,
    %dma_start3A_242 = arith.constant 0 : i32
    %dma_start3A_243 = arith.constant 0 : i32
    %dma_start3A_244 = tpu.memref_slice %arg8[%dma_start3A_242, %dma_start3A_243] : memref<384x128xf32, #tpu.memory_space<vmem>> -> memref<16x128xf32, #tpu.memory_space<vmem>>
    %dma_start3A_245 = arith.constant 0 : i32
    %dma_start3A_246 = arith.constant 0 : i32
    %dma_start3A_247 = tpu.memref_slice %arg2[%dma_start3A_245, %dma_start3A_246] : memref<100000x128xf32, #tpu.memory_space<hbm>> -> memref<100000x128xf32, #tpu.memory_space<hbm>>
    tpu.enqueue_indirect_dma source(%dma_start3A_247 : memref<100000x128xf32, #tpu.memory_space<hbm>>) target(%dma_start3A_244 : memref<16x128xf32, #tpu.memory_space<vmem>>) offsets(%get3A_241 : vector<16xi32>) semaphore(%arg9 : memref<!tpu.dma_semaphore, #tpu.memory_space<semaphore_mem>>)
    %get3A_248 = arith.constant 16 : index
    %get3A_249 = tpu.vector_load %arg7[%get3A_248] {strides = array<i32>} : memref<384xi32, #tpu.memory_space<vmem>>, vector<16xi32>,
    %dma_start3A_250 = arith.constant 16 : i32
    %dma_start3A_251 = arith.constant 0 : i32
    %dma_start3A_252 = tpu.memref_slice %arg8[%dma_start3A_250, %dma_start3A_251] : memref<384x128xf32, #tpu.memory_space<vmem>> -> memref<16x128xf32, #tpu.memory_space<vmem>>
    %dma_start3A_253 = arith.constant 0 : i32
    %dma_start3A_254 = arith.constant 0 : i32
    %dma_start3A_255 = tpu.memref_slice %arg2[%dma_start3A_253, %dma_start3A_254] : memref<100000x128xf32, #tpu.memory_space<hbm>> -> memref<100000x128xf32, #tpu.memory_space<hbm>>
    tpu.enqueue_indirect_dma source(%dma_start3A_255 : memref<100000x128xf32, #tpu.memory_space<hbm>>) target(%dma_start3A_252 : memref<16x128xf32, #tpu.memory_space<vmem>>) offsets(%get3A_249 : vector<16xi32>) semaphore(%arg9 : memref<!tpu.dma_semaphore, #tpu.memory_space<semaphore_mem>>)
    %get3A_256 = arith.constant 32 : index
    %get3A_257 = tpu.vector_load %arg7[%get3A_256] {strides = array<i32>} : memref<384xi32, #tpu.memory_space<vmem>>, vector<16xi32>,
    %dma_start3A_258 = arith.constant 32 : i32
    %dma_start3A_259 = arith.constant 0 : i32
    %dma_start3A_260 = tpu.memref_slice %arg8[%dma_start3A_258, %dma_start3A_259] : memref<384x128xf32, #tpu.memory_space<vmem>> -> memref<16x128xf32, #tpu.memory_space<vmem>>
    %dma_start3A_261 = arith.constant 0 : i32
    %dma_start3A_262 = arith.constant 0 : i32
    %dma_start3A_263 = tpu.memref_slice %arg2[%dma_start3A_261, %dma_start3A_262] : memref<100000x128xf32, #tpu.memory_space<hbm>> -> memref<100000x128xf32, #tpu.memory_space<hbm>>
    tpu.enqueue_indirect_dma source(%dma_start3A_263 : memref<100000x128xf32, #tpu.memory_space<hbm>>) target(%dma_start3A_260 : memref<16x128xf32, #tpu.memory_space<vmem>>) offsets(%get3A_257 : vector<16xi32>) semaphore(%arg9 : memref<!tpu.dma_semaphore, #tpu.memory_space<semaphore_mem>>)
    %get3A_264 = arith.constant 48 : index
    %get3A_265 = tpu.vector_load %arg7[%get3A_264] {strides = array<i32>} : memref<384xi32, #tpu.memory_space<vmem>>, vector<16xi32>,
    %dma_start3A_266 = arith.constant 48 : i32
    %dma_start3A_267 = arith.constant 0 : i32
    %dma_start3A_268 = tpu.memref_slice %arg8[%dma_start3A_266, %dma_start3A_267] : memref<384x128xf32, #tpu.memory_space<vmem>> -> memref<16x128xf32, #tpu.memory_space<vmem>>
    %dma_start3A_269 = arith.constant 0 : i32
    %dma_start3A_270 = arith.constant 0 : i32
    %dma_start3A_271 = tpu.memref_slice %arg2[%dma_start3A_269, %dma_start3A_270] : memref<100000x128xf32, #tpu.memory_space<hbm>> -> memref<100000x128xf32, #tpu.memory_space<hbm>>
    tpu.enqueue_indirect_dma source(%dma_start3A_271 : memref<100000x128xf32, #tpu.memory_space<hbm>>) target(%dma_start3A_268 : memref<16x128xf32, #tpu.memory_space<vmem>>) offsets(%get3A_265 : vector<16xi32>) semaphore(%arg9 : memref<!tpu.dma_semaphore, #tpu.memory_space<semaphore_mem>>)
    %get3A_272 = arith.constant 64 : index
    %get3A_273 = tpu.vector_load %arg7[%get3A_272] {strides = array<i32>} : memref<384xi32, #tpu.memory_space<vmem>>, vector<16xi32>,
    %dma_start3A_274 = arith.constant 64 : i32
    %dma_start3A_275 = arith.constant 0 : i32
    %dma_start3A_276 = tpu.memref_slice %arg8[%dma_start3A_274, %dma_start3A_275] : memref<384x128xf32, #tpu.memory_space<vmem>> -> memref<16x128xf32, #tpu.memory_space<vmem>>
    %dma_start3A_277 = arith.constant 0 : i32
    %dma_start3A_278 = arith.constant 0 : i32
    %dma_start3A_279 = tpu.memref_slice %arg2[%dma_start3A_277, %dma_start3A_278] : memref<100000x128xf32, #tpu.memory_space<hbm>> -> memref<100000x128xf32, #tpu.memory_space<hbm>>
    tpu.enqueue_indirect_dma source(%dma_start3A_279 : memref<100000x128xf32, #tpu.memory_space<hbm>>) target(%dma_start3A_276 : memref<16x128xf32, #tpu.memory_space<vmem>>) offsets(%get3A_273 : vector<16xi32>) semaphore(%arg9 : memref<!tpu.dma_semaphore, #tpu.memory_space<semaphore_mem>>)
    %get3A_280 = arith.constant 80 : index
    %get3A_281 = tpu.vector_load %arg7[%get3A_280] {strides = array<i32>} : memref<384xi32, #tpu.memory_space<vmem>>, vector<16xi32>,
    %dma_start3A_282 = arith.constant 80 : i32
    %dma_start3A_283 = arith.constant 0 : i32
    %dma_start3A_284 = tpu.memref_slice %arg8[%dma_start3A_282, %dma_start3A_283] : memref<384x128xf32, #tpu.memory_space<vmem>> -> memref<16x128xf32, #tpu.memory_space<vmem>>
    %dma_start3A_285 = arith.constant 0 : i32
    %dma_start3A_286 = arith.constant 0 : i32
    %dma_start3A_287 = tpu.memref_slice %arg2[%dma_start3A_285, %dma_start3A_286] : memref<100000x128xf32, #tpu.memory_space<hbm>> -> memref<100000x128xf32, #tpu.memory_space<hbm>>
    tpu.enqueue_indirect_dma source(%dma_start3A_287 : memref<100000x128xf32, #tpu.memory_space<hbm>>) target(%dma_start3A_284 : memref<16x128xf32, #tpu.memory_space<vmem>>) offsets(%get3A_281 : vector<16xi32>) semaphore(%arg9 : memref<!tpu.dma_semaphore, #tpu.memory_space<semaphore_mem>>)
    %get3A_288 = arith.constant 96 : index
    %get3A_289 = tpu.vector_load %arg7[%get3A_288] {strides = array<i32>} : memref<384xi32, #tpu.memory_space<vmem>>, vector<16xi32>,
    %dma_start3A_290 = arith.constant 96 : i32
    %dma_start3A_291 = arith.constant 0 : i32
    %dma_start3A_292 = tpu.memref_slice %arg8[%dma_start3A_290, %dma_start3A_291] : memref<384x128xf32, #tpu.memory_space<vmem>> -> memref<16x128xf32, #tpu.memory_space<vmem>>
    %dma_start3A_293 = arith.constant 0 : i32
    %dma_start3A_294 = arith.constant 0 : i32
    %dma_start3A_295 = tpu.memref_slice %arg2[%dma_start3A_293, %dma_start3A_294] : memref<100000x128xf32, #tpu.memory_space<hbm>> -> memref<100000x128xf32, #tpu.memory_space<hbm>>
    tpu.enqueue_indirect_dma source(%dma_start3A_295 : memref<100000x128xf32, #tpu.memory_space<hbm>>) target(%dma_start3A_292 : memref<16x128xf32, #tpu.memory_space<vmem>>) offsets(%get3A_289 : vector<16xi32>) semaphore(%arg9 : memref<!tpu.dma_semaphore, #tpu.memory_space<semaphore_mem>>)
    %get3A_296 = arith.constant 112 : index
    %get3A_297 = tpu.vector_load %arg7[%get3A_296] {strides = array<i32>} : memref<384xi32, #tpu.memory_space<vmem>>, vector<16xi32>,
    %dma_start3A_298 = arith.constant 112 : i32
    %dma_start3A_299 = arith.constant 0 : i32
    %dma_start3A_300 = tpu.memref_slice %arg8[%dma_start3A_298, %dma_start3A_299] : memref<384x128xf32, #tpu.memory_space<vmem>> -> memref<16x128xf32, #tpu.memory_space<vmem>>
    %dma_start3A_301 = arith.constant 0 : i32
    %dma_start3A_302 = arith.constant 0 : i32
    %dma_start3A_303 = tpu.memref_slice %arg2[%dma_start3A_301, %dma_start3A_302] : memref<100000x128xf32, #tpu.memory_space<hbm>> -> memref<100000x128xf32, #tpu.memory_space<hbm>>
    tpu.enqueue_indirect_dma source(%dma_start3A_303 : memref<100000x128xf32, #tpu.memory_space<hbm>>) target(%dma_start3A_300 : memref<16x128xf32, #tpu.memory_space<vmem>>) offsets(%get3A_297 : vector<16xi32>) semaphore(%arg9 : memref<!tpu.dma_semaphore, #tpu.memory_space<semaphore_mem>>)
    %get3A_304 = arith.constant 128 : index
    %get3A_305 = tpu.vector_load %arg7[%get3A_304] {strides = array<i32>} : memref<384xi32, #tpu.memory_space<vmem>>, vector<16xi32>,
    %dma_start3A_306 = arith.constant 128 : i32
    %dma_start3A_307 = arith.constant 0 : i32
    %dma_start3A_308 = tpu.memref_slice %arg8[%dma_start3A_306, %dma_start3A_307] : memref<384x128xf32, #tpu.memory_space<vmem>> -> memref<16x128xf32, #tpu.memory_space<vmem>>
    %dma_start3A_309 = arith.constant 0 : i32
    %dma_start3A_310 = arith.constant 0 : i32
    %dma_start3A_311 = tpu.memref_slice %arg2[%dma_start3A_309, %dma_start3A_310] : memref<100000x128xf32, #tpu.memory_space<hbm>> -> memref<100000x128xf32, #tpu.memory_space<hbm>>
    tpu.enqueue_indirect_dma source(%dma_start3A_311 : memref<100000x128xf32, #tpu.memory_space<hbm>>) target(%dma_start3A_308 : memref<16x128xf32, #tpu.memory_space<vmem>>) offsets(%get3A_305 : vector<16xi32>) semaphore(%arg9 : memref<!tpu.dma_semaphore, #tpu.memory_space<semaphore_mem>>)
    %get3A_312 = arith.constant 144 : index
    %get3A_313 = tpu.vector_load %arg7[%get3A_312] {strides = array<i32>} : memref<384xi32, #tpu.memory_space<vmem>>, vector<16xi32>,
    %dma_start3A_314 = arith.constant 144 : i32
    %dma_start3A_315 = arith.constant 0 : i32
    %dma_start3A_316 = tpu.memref_slice %arg8[%dma_start3A_314, %dma_start3A_315] : memref<384x128xf32, #tpu.memory_space<vmem>> -> memref<16x128xf32, #tpu.memory_space<vmem>>
    %dma_start3A_317 = arith.constant 0 : i32
    %dma_start3A_318 = arith.constant 0 : i32
    %dma_start3A_319 = tpu.memref_slice %arg2[%dma_start3A_317, %dma_start3A_318] : memref<100000x128xf32, #tpu.memory_space<hbm>> -> memref<100000x128xf32, #tpu.memory_space<hbm>>
    tpu.enqueue_indirect_dma source(%dma_start3A_319 : memref<100000x128xf32, #tpu.memory_space<hbm>>) target(%dma_start3A_316 : memref<16x128xf32, #tpu.memory_space<vmem>>) offsets(%get3A_313 : vector<16xi32>) semaphore(%arg9 : memref<!tpu.dma_semaphore, #tpu.memory_space<semaphore_mem>>)
    %get3A_320 = arith.constant 160 : index
    %get3A_321 = tpu.vector_load %arg7[%get3A_320] {strides = array<i32>} : memref<384xi32, #tpu.memory_space<vmem>>, vector<16xi32>,
    %dma_start3A_322 = arith.constant 160 : i32
    %dma_start3A_323 = arith.constant 0 : i32
    %dma_start3A_324 = tpu.memref_slice %arg8[%dma_start3A_322, %dma_start3A_323] : memref<384x128xf32, #tpu.memory_space<vmem>> -> memref<16x128xf32, #tpu.memory_space<vmem>>
    %dma_start3A_325 = arith.constant 0 : i32
    %dma_start3A_326 = arith.constant 0 : i32
    %dma_start3A_327 = tpu.memref_slice %arg2[%dma_start3A_325, %dma_start3A_326] : memref<100000x128xf32, #tpu.memory_space<hbm>> -> memref<100000x128xf32, #tpu.memory_space<hbm>>
    tpu.enqueue_indirect_dma source(%dma_start3A_327 : memref<100000x128xf32, #tpu.memory_space<hbm>>) target(%dma_start3A_324 : memref<16x128xf32, #tpu.memory_space<vmem>>) offsets(%get3A_321 : vector<16xi32>) semaphore(%arg9 : memref<!tpu.dma_semaphore, #tpu.memory_space<semaphore_mem>>)
    %get3A_328 = arith.constant 176 : index
    %get3A_329 = tpu.vector_load %arg7[%get3A_328] {strides = array<i32>} : memref<384xi32, #tpu.memory_space<vmem>>, vector<16xi32>,
    %dma_start3A_330 = arith.constant 176 : i32
    %dma_start3A_331 = arith.constant 0 : i32
    %dma_start3A_332 = tpu.memref_slice %arg8[%dma_start3A_330, %dma_start3A_331] : memref<384x128xf32, #tpu.memory_space<vmem>> -> memref<16x128xf32, #tpu.memory_space<vmem>>
    %dma_start3A_333 = arith.constant 0 : i32
    %dma_start3A_334 = arith.constant 0 : i32
    %dma_start3A_335 = tpu.memref_slice %arg2[%dma_start3A_333, %dma_start3A_334] : memref<100000x128xf32, #tpu.memory_space<hbm>> -> memref<100000x128xf32, #tpu.memory_space<hbm>>
    tpu.enqueue_indirect_dma source(%dma_start3A_335 : memref<100000x128xf32, #tpu.memory_space<hbm>>) target(%dma_start3A_332 : memref<16x128xf32, #tpu.memory_space<vmem>>) offsets(%get3A_329 : vector<16xi32>) semaphore(%arg9 : memref<!tpu.dma_semaphore, #tpu.memory_space<semaphore_mem>>)
    %get3A_336 = arith.constant 192 : index
    %get3A_337 = tpu.vector_load %arg7[%get3A_336] {strides = array<i32>} : memref<384xi32, #tpu.memory_space<vmem>>, vector<16xi32>,
    %dma_start3A_338 = arith.constant 192 : i32
    %dma_start3A_339 = arith.constant 0 : i32
    %dma_start3A_340 = tpu.memref_slice %arg8[%dma_start3A_338, %dma_start3A_339] : memref<384x128xf32, #tpu.memory_space<vmem>> -> memref<16x128xf32, #tpu.memory_space<vmem>>
    %dma_start3A_341 = arith.constant 0 : i32
    %dma_start3A_342 = arith.constant 0 : i32
    %dma_start3A_343 = tpu.memref_slice %arg2[%dma_start3A_341, %dma_start3A_342] : memref<100000x128xf32, #tpu.memory_space<hbm>> -> memref<100000x128xf32, #tpu.memory_space<hbm>>
    tpu.enqueue_indirect_dma source(%dma_start3A_343 : memref<100000x128xf32, #tpu.memory_space<hbm>>) target(%dma_start3A_340 : memref<16x128xf32, #tpu.memory_space<vmem>>) offsets(%get3A_337 : vector<16xi32>) semaphore(%arg9 : memref<!tpu.dma_semaphore, #tpu.memory_space<semaphore_mem>>)
    %get3A_344 = arith.constant 208 : index
    %get3A_345 = tpu.vector_load %arg7[%get3A_344] {strides = array<i32>} : memref<384xi32, #tpu.memory_space<vmem>>, vector<16xi32>,
    %dma_start3A_346 = arith.constant 208 : i32
    %dma_start3A_347 = arith.constant 0 : i32
    %dma_start3A_348 = tpu.memref_slice %arg8[%dma_start3A_346, %dma_start3A_347] : memref<384x128xf32, #tpu.memory_space<vmem>> -> memref<16x128xf32, #tpu.memory_space<vmem>>
    %dma_start3A_349 = arith.constant 0 : i32
    %dma_start3A_350 = arith.constant 0 : i32
    %dma_start3A_351 = tpu.memref_slice %arg2[%dma_start3A_349, %dma_start3A_350] : memref<100000x128xf32, #tpu.memory_space<hbm>> -> memref<100000x128xf32, #tpu.memory_space<hbm>>
    tpu.enqueue_indirect_dma source(%dma_start3A_351 : memref<100000x128xf32, #tpu.memory_space<hbm>>) target(%dma_start3A_348 : memref<16x128xf32, #tpu.memory_space<vmem>>) offsets(%get3A_345 : vector<16xi32>) semaphore(%arg9 : memref<!tpu.dma_semaphore, #tpu.memory_space<semaphore_mem>>)
    %get3A_352 = arith.constant 224 : index
    %get3A_353 = tpu.vector_load %arg7[%get3A_352] {strides = array<i32>} : memref<384xi32, #tpu.memory_space<vmem>>, vector<16xi32>,
    %dma_start3A_354 = arith.constant 224 : i32
    %dma_start3A_355 = arith.constant 0 : i32
    %dma_start3A_356 = tpu.memref_slice %arg8[%dma_start3A_354, %dma_start3A_355] : memref<384x128xf32, #tpu.memory_space<vmem>> -> memref<16x128xf32, #tpu.memory_space<vmem>>
    %dma_start3A_357 = arith.constant 0 : i32
    %dma_start3A_358 = arith.constant 0 : i32
    %dma_start3A_359 = tpu.memref_slice %arg2[%dma_start3A_357, %dma_start3A_358] : memref<100000x128xf32, #tpu.memory_space<hbm>> -> memref<100000x128xf32, #tpu.memory_space<hbm>>
    tpu.enqueue_indirect_dma source(%dma_start3A_359 : memref<100000x128xf32, #tpu.memory_space<hbm>>) target(%dma_start3A_356 : memref<16x128xf32, #tpu.memory_space<vmem>>) offsets(%get3A_353 : vector<16xi32>) semaphore(%arg9 : memref<!tpu.dma_semaphore, #tpu.memory_space<semaphore_mem>>)
    %get3A_360 = arith.constant 240 : index
    %get3A_361 = tpu.vector_load %arg7[%get3A_360] {strides = array<i32>} : memref<384xi32, #tpu.memory_space<vmem>>, vector<16xi32>,
    %dma_start3A_362 = arith.constant 240 : i32
    %dma_start3A_363 = arith.constant 0 : i32
    %dma_start3A_364 = tpu.memref_slice %arg8[%dma_start3A_362, %dma_start3A_363] : memref<384x128xf32, #tpu.memory_space<vmem>> -> memref<16x128xf32, #tpu.memory_space<vmem>>
    %dma_start3A_365 = arith.constant 0 : i32
    %dma_start3A_366 = arith.constant 0 : i32
    %dma_start3A_367 = tpu.memref_slice %arg2[%dma_start3A_365, %dma_start3A_366] : memref<100000x128xf32, #tpu.memory_space<hbm>> -> memref<100000x128xf32, #tpu.memory_space<hbm>>
    tpu.enqueue_indirect_dma source(%dma_start3A_367 : memref<100000x128xf32, #tpu.memory_space<hbm>>) target(%dma_start3A_364 : memref<16x128xf32, #tpu.memory_space<vmem>>) offsets(%get3A_361 : vector<16xi32>) semaphore(%arg9 : memref<!tpu.dma_semaphore, #tpu.memory_space<semaphore_mem>>)
    %get3A_368 = arith.constant 256 : index
    %get3A_369 = tpu.vector_load %arg7[%get3A_368] {strides = array<i32>} : memref<384xi32, #tpu.memory_space<vmem>>, vector<16xi32>,
    %dma_start3A_370 = arith.constant 256 : i32
    %dma_start3A_371 = arith.constant 0 : i32
    %dma_start3A_372 = tpu.memref_slice %arg8[%dma_start3A_370, %dma_start3A_371] : memref<384x128xf32, #tpu.memory_space<vmem>> -> memref<16x128xf32, #tpu.memory_space<vmem>>
    %dma_start3A_373 = arith.constant 0 : i32
    %dma_start3A_374 = arith.constant 0 : i32
    %dma_start3A_375 = tpu.memref_slice %arg2[%dma_start3A_373, %dma_start3A_374] : memref<100000x128xf32, #tpu.memory_space<hbm>> -> memref<100000x128xf32, #tpu.memory_space<hbm>>
    tpu.enqueue_indirect_dma source(%dma_start3A_375 : memref<100000x128xf32, #tpu.memory_space<hbm>>) target(%dma_start3A_372 : memref<16x128xf32, #tpu.memory_space<vmem>>) offsets(%get3A_369 : vector<16xi32>) semaphore(%arg9 : memref<!tpu.dma_semaphore, #tpu.memory_space<semaphore_mem>>)
    %get3A_376 = arith.constant 272 : index
    %get3A_377 = tpu.vector_load %arg7[%get3A_376] {strides = array<i32>} : memref<384xi32, #tpu.memory_space<vmem>>, vector<16xi32>,
    %dma_start3A_378 = arith.constant 272 : i32
    %dma_start3A_379 = arith.constant 0 : i32
    %dma_start3A_380 = tpu.memref_slice %arg8[%dma_start3A_378, %dma_start3A_379] : memref<384x128xf32, #tpu.memory_space<vmem>> -> memref<16x128xf32, #tpu.memory_space<vmem>>
    %dma_start3A_381 = arith.constant 0 : i32
    %dma_start3A_382 = arith.constant 0 : i32
    %dma_start3A_383 = tpu.memref_slice %arg2[%dma_start3A_381, %dma_start3A_382] : memref<100000x128xf32, #tpu.memory_space<hbm>> -> memref<100000x128xf32, #tpu.memory_space<hbm>>
    tpu.enqueue_indirect_dma source(%dma_start3A_383 : memref<100000x128xf32, #tpu.memory_space<hbm>>) target(%dma_start3A_380 : memref<16x128xf32, #tpu.memory_space<vmem>>) offsets(%get3A_377 : vector<16xi32>) semaphore(%arg9 : memref<!tpu.dma_semaphore, #tpu.memory_space<semaphore_mem>>)
    %get3A_384 = arith.constant 288 : index
    %get3A_385 = tpu.vector_load %arg7[%get3A_384] {strides = array<i32>} : memref<384xi32, #tpu.memory_space<vmem>>, vector<16xi32>,
    %dma_start3A_386 = arith.constant 288 : i32
    %dma_start3A_387 = arith.constant 0 : i32
    %dma_start3A_388 = tpu.memref_slice %arg8[%dma_start3A_386, %dma_start3A_387] : memref<384x128xf32, #tpu.memory_space<vmem>> -> memref<16x128xf32, #tpu.memory_space<vmem>>
    %dma_start3A_389 = arith.constant 0 : i32
    %dma_start3A_390 = arith.constant 0 : i32
    %dma_start3A_391 = tpu.memref_slice %arg2[%dma_start3A_389, %dma_start3A_390] : memref<100000x128xf32, #tpu.memory_space<hbm>> -> memref<100000x128xf32, #tpu.memory_space<hbm>>
    tpu.enqueue_indirect_dma source(%dma_start3A_391 : memref<100000x128xf32, #tpu.memory_space<hbm>>) target(%dma_start3A_388 : memref<16x128xf32, #tpu.memory_space<vmem>>) offsets(%get3A_385 : vector<16xi32>) semaphore(%arg9 : memref<!tpu.dma_semaphore, #tpu.memory_space<semaphore_mem>>)
    %get3A_392 = arith.constant 304 : index
    %get3A_393 = tpu.vector_load %arg7[%get3A_392] {strides = array<i32>} : memref<384xi32, #tpu.memory_space<vmem>>, vector<16xi32>,
    %dma_start3A_394 = arith.constant 304 : i32
    %dma_start3A_395 = arith.constant 0 : i32
    %dma_start3A_396 = tpu.memref_slice %arg8[%dma_start3A_394, %dma_start3A_395] : memref<384x128xf32, #tpu.memory_space<vmem>> -> memref<16x128xf32, #tpu.memory_space<vmem>>
    %dma_start3A_397 = arith.constant 0 : i32
    %dma_start3A_398 = arith.constant 0 : i32
    %dma_start3A_399 = tpu.memref_slice %arg2[%dma_start3A_397, %dma_start3A_398] : memref<100000x128xf32, #tpu.memory_space<hbm>> -> memref<100000x128xf32, #tpu.memory_space<hbm>>
    tpu.enqueue_indirect_dma source(%dma_start3A_399 : memref<100000x128xf32, #tpu.memory_space<hbm>>) target(%dma_start3A_396 : memref<16x128xf32, #tpu.memory_space<vmem>>) offsets(%get3A_393 : vector<16xi32>) semaphore(%arg9 : memref<!tpu.dma_semaphore, #tpu.memory_space<semaphore_mem>>)
    %get3A_400 = arith.constant 320 : index
    %get3A_401 = tpu.vector_load %arg7[%get3A_400] {strides = array<i32>} : memref<384xi32, #tpu.memory_space<vmem>>, vector<16xi32>,
    %dma_start3A_402 = arith.constant 320 : i32
    %dma_start3A_403 = arith.constant 0 : i32
    %dma_start3A_404 = tpu.memref_slice %arg8[%dma_start3A_402, %dma_start3A_403] : memref<384x128xf32, #tpu.memory_space<vmem>> -> memref<16x128xf32, #tpu.memory_space<vmem>>
    %dma_start3A_405 = arith.constant 0 : i32
    %dma_start3A_406 = arith.constant 0 : i32
    %dma_start3A_407 = tpu.memref_slice %arg2[%dma_start3A_405, %dma_start3A_406] : memref<100000x128xf32, #tpu.memory_space<hbm>> -> memref<100000x128xf32, #tpu.memory_space<hbm>>
    tpu.enqueue_indirect_dma source(%dma_start3A_407 : memref<100000x128xf32, #tpu.memory_space<hbm>>) target(%dma_start3A_404 : memref<16x128xf32, #tpu.memory_space<vmem>>) offsets(%get3A_401 : vector<16xi32>) semaphore(%arg9 : memref<!tpu.dma_semaphore, #tpu.memory_space<semaphore_mem>>)
    %get3A_408 = arith.constant 336 : index
    %get3A_409 = tpu.vector_load %arg7[%get3A_408] {strides = array<i32>} : memref<384xi32, #tpu.memory_space<vmem>>, vector<16xi32>,
    %dma_start3A_410 = arith.constant 336 : i32
    %dma_start3A_411 = arith.constant 0 : i32
    %dma_start3A_412 = tpu.memref_slice %arg8[%dma_start3A_410, %dma_start3A_411] : memref<384x128xf32, #tpu.memory_space<vmem>> -> memref<16x128xf32, #tpu.memory_space<vmem>>
    %dma_start3A_413 = arith.constant 0 : i32
    %dma_start3A_414 = arith.constant 0 : i32
    %dma_start3A_415 = tpu.memref_slice %arg2[%dma_start3A_413, %dma_start3A_414] : memref<100000x128xf32, #tpu.memory_space<hbm>> -> memref<100000x128xf32, #tpu.memory_space<hbm>>
    tpu.enqueue_indirect_dma source(%dma_start3A_415 : memref<100000x128xf32, #tpu.memory_space<hbm>>) target(%dma_start3A_412 : memref<16x128xf32, #tpu.memory_space<vmem>>) offsets(%get3A_409 : vector<16xi32>) semaphore(%arg9 : memref<!tpu.dma_semaphore, #tpu.memory_space<semaphore_mem>>)
    %get3A_416 = arith.constant 352 : index
    %get3A_417 = tpu.vector_load %arg7[%get3A_416] {strides = array<i32>} : memref<384xi32, #tpu.memory_space<vmem>>, vector<16xi32>,
    %dma_start3A_418 = arith.constant 352 : i32
    %dma_start3A_419 = arith.constant 0 : i32
    %dma_start3A_420 = tpu.memref_slice %arg8[%dma_start3A_418, %dma_start3A_419] : memref<384x128xf32, #tpu.memory_space<vmem>> -> memref<16x128xf32, #tpu.memory_space<vmem>>
    %dma_start3A_421 = arith.constant 0 : i32
    %dma_start3A_422 = arith.constant 0 : i32
    %dma_start3A_423 = tpu.memref_slice %arg2[%dma_start3A_421, %dma_start3A_422] : memref<100000x128xf32, #tpu.memory_space<hbm>> -> memref<100000x128xf32, #tpu.memory_space<hbm>>
    tpu.enqueue_indirect_dma source(%dma_start3A_423 : memref<100000x128xf32, #tpu.memory_space<hbm>>) target(%dma_start3A_420 : memref<16x128xf32, #tpu.memory_space<vmem>>) offsets(%get3A_417 : vector<16xi32>) semaphore(%arg9 : memref<!tpu.dma_semaphore, #tpu.memory_space<semaphore_mem>>)
    %get3A_424 = arith.constant 368 : index
    %get3A_425 = tpu.vector_load %arg7[%get3A_424] {strides = array<i32>} : memref<384xi32, #tpu.memory_space<vmem>>, vector<16xi32>,
    %dma_start3A_426 = arith.constant 368 : i32
    %dma_start3A_427 = arith.constant 0 : i32
    %dma_start3A_428 = tpu.memref_slice %arg8[%dma_start3A_426, %dma_start3A_427] : memref<384x128xf32, #tpu.memory_space<vmem>> -> memref<16x128xf32, #tpu.memory_space<vmem>>
    %dma_start3A_429 = arith.constant 0 : i32
    %dma_start3A_430 = arith.constant 0 : i32
    %dma_start3A_431 = tpu.memref_slice %arg2[%dma_start3A_429, %dma_start3A_430] : memref<100000x128xf32, #tpu.memory_space<hbm>> -> memref<100000x128xf32, #tpu.memory_space<hbm>>
    tpu.enqueue_indirect_dma source(%dma_start3A_431 : memref<100000x128xf32, #tpu.memory_space<hbm>>) target(%dma_start3A_428 : memref<16x128xf32, #tpu.memory_space<vmem>>) offsets(%get3A_425 : vector<16xi32>) semaphore(%arg9 : memref<!tpu.dma_semaphore, #tpu.memory_space<semaphore_mem>>)
    %dma_wait3A_432 = arith.constant 0 : i32
    %dma_wait3A_433 = arith.constant 0 : i32
    %dma_wait3A_434 = tpu.memref_slice %arg8[%dma_wait3A_432, %dma_wait3A_433] : memref<384x128xf32, #tpu.memory_space<vmem>> -> memref<16x128xf32, #tpu.memory_space<vmem>>
    %dma_wait3A_435 = arith.constant 0 : i32
    %dma_wait3A_436 = arith.constant 0 : i32
    %dma_wait3A_437 = tpu.memref_slice %arg2[%dma_wait3A_435, %dma_wait3A_436] : memref<100000x128xf32, #tpu.memory_space<hbm>> -> memref<100000x128xf32, #tpu.memory_space<hbm>>
    tpu.wait_indirect_dma semaphore(%arg9 : memref<!tpu.dma_semaphore, #tpu.memory_space<semaphore_mem>>) src(%dma_wait3A_437 : memref<100000x128xf32, #tpu.memory_space<hbm>>) dst(%dma_wait3A_434 : memref<16x128xf32, #tpu.memory_space<vmem>>)
    %dma_wait3A_438 = arith.constant 16 : i32
    %dma_wait3A_439 = arith.constant 0 : i32
    %dma_wait3A_440 = tpu.memref_slice %arg8[%dma_wait3A_438, %dma_wait3A_439] : memref<384x128xf32, #tpu.memory_space<vmem>> -> memref<16x128xf32, #tpu.memory_space<vmem>>
    %dma_wait3A_441 = arith.constant 0 : i32
    %dma_wait3A_442 = arith.constant 0 : i32
    %dma_wait3A_443 = tpu.memref_slice %arg2[%dma_wait3A_441, %dma_wait3A_442] : memref<100000x128xf32, #tpu.memory_space<hbm>> -> memref<100000x128xf32, #tpu.memory_space<hbm>>
    tpu.wait_indirect_dma semaphore(%arg9 : memref<!tpu.dma_semaphore, #tpu.memory_space<semaphore_mem>>) src(%dma_wait3A_443 : memref<100000x128xf32, #tpu.memory_space<hbm>>) dst(%dma_wait3A_440 : memref<16x128xf32, #tpu.memory_space<vmem>>)
    %dma_wait3A_444 = arith.constant 32 : i32
    %dma_wait3A_445 = arith.constant 0 : i32
    %dma_wait3A_446 = tpu.memref_slice %arg8[%dma_wait3A_444, %dma_wait3A_445] : memref<384x128xf32, #tpu.memory_space<vmem>> -> memref<16x128xf32, #tpu.memory_space<vmem>>
    %dma_wait3A_447 = arith.constant 0 : i32
    %dma_wait3A_448 = arith.constant 0 : i32
    %dma_wait3A_449 = tpu.memref_slice %arg2[%dma_wait3A_447, %dma_wait3A_448] : memref<100000x128xf32, #tpu.memory_space<hbm>> -> memref<100000x128xf32, #tpu.memory_space<hbm>>
    tpu.wait_indirect_dma semaphore(%arg9 : memref<!tpu.dma_semaphore, #tpu.memory_space<semaphore_mem>>) src(%dma_wait3A_449 : memref<100000x128xf32, #tpu.memory_space<hbm>>) dst(%dma_wait3A_446 : memref<16x128xf32, #tpu.memory_space<vmem>>)
    %dma_wait3A_450 = arith.constant 48 : i32
    %dma_wait3A_451 = arith.constant 0 : i32
    %dma_wait3A_452 = tpu.memref_slice %arg8[%dma_wait3A_450, %dma_wait3A_451] : memref<384x128xf32, #tpu.memory_space<vmem>> -> memref<16x128xf32, #tpu.memory_space<vmem>>
    %dma_wait3A_453 = arith.constant 0 : i32
    %dma_wait3A_454 = arith.constant 0 : i32
    %dma_wait3A_455 = tpu.memref_slice %arg2[%dma_wait3A_453, %dma_wait3A_454] : memref<100000x128xf32, #tpu.memory_space<hbm>> -> memref<100000x128xf32, #tpu.memory_space<hbm>>
    tpu.wait_indirect_dma semaphore(%arg9 : memref<!tpu.dma_semaphore, #tpu.memory_space<semaphore_mem>>) src(%dma_wait3A_455 : memref<100000x128xf32, #tpu.memory_space<hbm>>) dst(%dma_wait3A_452 : memref<16x128xf32, #tpu.memory_space<vmem>>)
    %dma_wait3A_456 = arith.constant 64 : i32
    %dma_wait3A_457 = arith.constant 0 : i32
    %dma_wait3A_458 = tpu.memref_slice %arg8[%dma_wait3A_456, %dma_wait3A_457] : memref<384x128xf32, #tpu.memory_space<vmem>> -> memref<16x128xf32, #tpu.memory_space<vmem>>
    %dma_wait3A_459 = arith.constant 0 : i32
    %dma_wait3A_460 = arith.constant 0 : i32
    %dma_wait3A_461 = tpu.memref_slice %arg2[%dma_wait3A_459, %dma_wait3A_460] : memref<100000x128xf32, #tpu.memory_space<hbm>> -> memref<100000x128xf32, #tpu.memory_space<hbm>>
    tpu.wait_indirect_dma semaphore(%arg9 : memref<!tpu.dma_semaphore, #tpu.memory_space<semaphore_mem>>) src(%dma_wait3A_461 : memref<100000x128xf32, #tpu.memory_space<hbm>>) dst(%dma_wait3A_458 : memref<16x128xf32, #tpu.memory_space<vmem>>)
    %dma_wait3A_462 = arith.constant 80 : i32
    %dma_wait3A_463 = arith.constant 0 : i32
    %dma_wait3A_464 = tpu.memref_slice %arg8[%dma_wait3A_462, %dma_wait3A_463] : memref<384x128xf32, #tpu.memory_space<vmem>> -> memref<16x128xf32, #tpu.memory_space<vmem>>
    %dma_wait3A_465 = arith.constant 0 : i32
    %dma_wait3A_466 = arith.constant 0 : i32
    %dma_wait3A_467 = tpu.memref_slice %arg2[%dma_wait3A_465, %dma_wait3A_466] : memref<100000x128xf32, #tpu.memory_space<hbm>> -> memref<100000x128xf32, #tpu.memory_space<hbm>>
    tpu.wait_indirect_dma semaphore(%arg9 : memref<!tpu.dma_semaphore, #tpu.memory_space<semaphore_mem>>) src(%dma_wait3A_467 : memref<100000x128xf32, #tpu.memory_space<hbm>>) dst(%dma_wait3A_464 : memref<16x128xf32, #tpu.memory_space<vmem>>)
    %dma_wait3A_468 = arith.constant 96 : i32
    %dma_wait3A_469 = arith.constant 0 : i32
    %dma_wait3A_470 = tpu.memref_slice %arg8[%dma_wait3A_468, %dma_wait3A_469] : memref<384x128xf32, #tpu.memory_space<vmem>> -> memref<16x128xf32, #tpu.memory_space<vmem>>
    %dma_wait3A_471 = arith.constant 0 : i32
    %dma_wait3A_472 = arith.constant 0 : i32
    %dma_wait3A_473 = tpu.memref_slice %arg2[%dma_wait3A_471, %dma_wait3A_472] : memref<100000x128xf32, #tpu.memory_space<hbm>> -> memref<100000x128xf32, #tpu.memory_space<hbm>>
    tpu.wait_indirect_dma semaphore(%arg9 : memref<!tpu.dma_semaphore, #tpu.memory_space<semaphore_mem>>) src(%dma_wait3A_473 : memref<100000x128xf32, #tpu.memory_space<hbm>>) dst(%dma_wait3A_470 : memref<16x128xf32, #tpu.memory_space<vmem>>)
    %dma_wait3A_474 = arith.constant 112 : i32
    %dma_wait3A_475 = arith.constant 0 : i32
    %dma_wait3A_476 = tpu.memref_slice %arg8[%dma_wait3A_474, %dma_wait3A_475] : memref<384x128xf32, #tpu.memory_space<vmem>> -> memref<16x128xf32, #tpu.memory_space<vmem>>
    %dma_wait3A_477 = arith.constant 0 : i32
    %dma_wait3A_478 = arith.constant 0 : i32
    %dma_wait3A_479 = tpu.memref_slice %arg2[%dma_wait3A_477, %dma_wait3A_478] : memref<100000x128xf32, #tpu.memory_space<hbm>> -> memref<100000x128xf32, #tpu.memory_space<hbm>>
    tpu.wait_indirect_dma semaphore(%arg9 : memref<!tpu.dma_semaphore, #tpu.memory_space<semaphore_mem>>) src(%dma_wait3A_479 : memref<100000x128xf32, #tpu.memory_space<hbm>>) dst(%dma_wait3A_476 : memref<16x128xf32, #tpu.memory_space<vmem>>)
    %dma_wait3A_480 = arith.constant 128 : i32
    %dma_wait3A_481 = arith.constant 0 : i32
    %dma_wait3A_482 = tpu.memref_slice %arg8[%dma_wait3A_480, %dma_wait3A_481] : memref<384x128xf32, #tpu.memory_space<vmem>> -> memref<16x128xf32, #tpu.memory_space<vmem>>
    %dma_wait3A_483 = arith.constant 0 : i32
    %dma_wait3A_484 = arith.constant 0 : i32
    %dma_wait3A_485 = tpu.memref_slice %arg2[%dma_wait3A_483, %dma_wait3A_484] : memref<100000x128xf32, #tpu.memory_space<hbm>> -> memref<100000x128xf32, #tpu.memory_space<hbm>>
    tpu.wait_indirect_dma semaphore(%arg9 : memref<!tpu.dma_semaphore, #tpu.memory_space<semaphore_mem>>) src(%dma_wait3A_485 : memref<100000x128xf32, #tpu.memory_space<hbm>>) dst(%dma_wait3A_482 : memref<16x128xf32, #tpu.memory_space<vmem>>)
    %dma_wait3A_486 = arith.constant 144 : i32
    %dma_wait3A_487 = arith.constant 0 : i32
    %dma_wait3A_488 = tpu.memref_slice %arg8[%dma_wait3A_486, %dma_wait3A_487] : memref<384x128xf32, #tpu.memory_space<vmem>> -> memref<16x128xf32, #tpu.memory_space<vmem>>
    %dma_wait3A_489 = arith.constant 0 : i32
    %dma_wait3A_490 = arith.constant 0 : i32
    %dma_wait3A_491 = tpu.memref_slice %arg2[%dma_wait3A_489, %dma_wait3A_490] : memref<100000x128xf32, #tpu.memory_space<hbm>> -> memref<100000x128xf32, #tpu.memory_space<hbm>>
    tpu.wait_indirect_dma semaphore(%arg9 : memref<!tpu.dma_semaphore, #tpu.memory_space<semaphore_mem>>) src(%dma_wait3A_491 : memref<100000x128xf32, #tpu.memory_space<hbm>>) dst(%dma_wait3A_488 : memref<16x128xf32, #tpu.memory_space<vmem>>)
    %dma_wait3A_492 = arith.constant 160 : i32
    %dma_wait3A_493 = arith.constant 0 : i32
    %dma_wait3A_494 = tpu.memref_slice %arg8[%dma_wait3A_492, %dma_wait3A_493] : memref<384x128xf32, #tpu.memory_space<vmem>> -> memref<16x128xf32, #tpu.memory_space<vmem>>
    %dma_wait3A_495 = arith.constant 0 : i32
    %dma_wait3A_496 = arith.constant 0 : i32
    %dma_wait3A_497 = tpu.memref_slice %arg2[%dma_wait3A_495, %dma_wait3A_496] : memref<100000x128xf32, #tpu.memory_space<hbm>> -> memref<100000x128xf32, #tpu.memory_space<hbm>>
    tpu.wait_indirect_dma semaphore(%arg9 : memref<!tpu.dma_semaphore, #tpu.memory_space<semaphore_mem>>) src(%dma_wait3A_497 : memref<100000x128xf32, #tpu.memory_space<hbm>>) dst(%dma_wait3A_494 : memref<16x128xf32, #tpu.memory_space<vmem>>)
    %dma_wait3A_498 = arith.constant 176 : i32
    %dma_wait3A_499 = arith.constant 0 : i32
    %dma_wait3A_500 = tpu.memref_slice %arg8[%dma_wait3A_498, %dma_wait3A_499] : memref<384x128xf32, #tpu.memory_space<vmem>> -> memref<16x128xf32, #tpu.memory_space<vmem>>
    %dma_wait3A_501 = arith.constant 0 : i32
    %dma_wait3A_502 = arith.constant 0 : i32
    %dma_wait3A_503 = tpu.memref_slice %arg2[%dma_wait3A_501, %dma_wait3A_502] : memref<100000x128xf32, #tpu.memory_space<hbm>> -> memref<100000x128xf32, #tpu.memory_space<hbm>>
    tpu.wait_indirect_dma semaphore(%arg9 : memref<!tpu.dma_semaphore, #tpu.memory_space<semaphore_mem>>) src(%dma_wait3A_503 : memref<100000x128xf32, #tpu.memory_space<hbm>>) dst(%dma_wait3A_500 : memref<16x128xf32, #tpu.memory_space<vmem>>)
    %dma_wait3A_504 = arith.constant 192 : i32
    %dma_wait3A_505 = arith.constant 0 : i32
    %dma_wait3A_506 = tpu.memref_slice %arg8[%dma_wait3A_504, %dma_wait3A_505] : memref<384x128xf32, #tpu.memory_space<vmem>> -> memref<16x128xf32, #tpu.memory_space<vmem>>
    %dma_wait3A_507 = arith.constant 0 : i32
    %dma_wait3A_508 = arith.constant 0 : i32
    %dma_wait3A_509 = tpu.memref_slice %arg2[%dma_wait3A_507, %dma_wait3A_508] : memref<100000x128xf32, #tpu.memory_space<hbm>> -> memref<100000x128xf32, #tpu.memory_space<hbm>>
    tpu.wait_indirect_dma semaphore(%arg9 : memref<!tpu.dma_semaphore, #tpu.memory_space<semaphore_mem>>) src(%dma_wait3A_509 : memref<100000x128xf32, #tpu.memory_space<hbm>>) dst(%dma_wait3A_506 : memref<16x128xf32, #tpu.memory_space<vmem>>)
    %dma_wait3A_510 = arith.constant 208 : i32
    %dma_wait3A_511 = arith.constant 0 : i32
    %dma_wait3A_512 = tpu.memref_slice %arg8[%dma_wait3A_510, %dma_wait3A_511] : memref<384x128xf32, #tpu.memory_space<vmem>> -> memref<16x128xf32, #tpu.memory_space<vmem>>
    %dma_wait3A_513 = arith.constant 0 : i32
    %dma_wait3A_514 = arith.constant 0 : i32
    %dma_wait3A_515 = tpu.memref_slice %arg2[%dma_wait3A_513, %dma_wait3A_514] : memref<100000x128xf32, #tpu.memory_space<hbm>> -> memref<100000x128xf32, #tpu.memory_space<hbm>>
    tpu.wait_indirect_dma semaphore(%arg9 : memref<!tpu.dma_semaphore, #tpu.memory_space<semaphore_mem>>) src(%dma_wait3A_515 : memref<100000x128xf32, #tpu.memory_space<hbm>>) dst(%dma_wait3A_512 : memref<16x128xf32, #tpu.memory_space<vmem>>)
    %dma_wait3A_516 = arith.constant 224 : i32
    %dma_wait3A_517 = arith.constant 0 : i32
    %dma_wait3A_518 = tpu.memref_slice %arg8[%dma_wait3A_516, %dma_wait3A_517] : memref<384x128xf32, #tpu.memory_space<vmem>> -> memref<16x128xf32, #tpu.memory_space<vmem>>
    %dma_wait3A_519 = arith.constant 0 : i32
    %dma_wait3A_520 = arith.constant 0 : i32
    %dma_wait3A_521 = tpu.memref_slice %arg2[%dma_wait3A_519, %dma_wait3A_520] : memref<100000x128xf32, #tpu.memory_space<hbm>> -> memref<100000x128xf32, #tpu.memory_space<hbm>>
    tpu.wait_indirect_dma semaphore(%arg9 : memref<!tpu.dma_semaphore, #tpu.memory_space<semaphore_mem>>) src(%dma_wait3A_521 : memref<100000x128xf32, #tpu.memory_space<hbm>>) dst(%dma_wait3A_518 : memref<16x128xf32, #tpu.memory_space<vmem>>)
    %dma_wait3A_522 = arith.constant 240 : i32
    %dma_wait3A_523 = arith.constant 0 : i32
    %dma_wait3A_524 = tpu.memref_slice %arg8[%dma_wait3A_522, %dma_wait3A_523] : memref<384x128xf32, #tpu.memory_space<vmem>> -> memref<16x128xf32, #tpu.memory_space<vmem>>
    %dma_wait3A_525 = arith.constant 0 : i32
    %dma_wait3A_526 = arith.constant 0 : i32
    %dma_wait3A_527 = tpu.memref_slice %arg2[%dma_wait3A_525, %dma_wait3A_526] : memref<100000x128xf32, #tpu.memory_space<hbm>> -> memref<100000x128xf32, #tpu.memory_space<hbm>>
    tpu.wait_indirect_dma semaphore(%arg9 : memref<!tpu.dma_semaphore, #tpu.memory_space<semaphore_mem>>) src(%dma_wait3A_527 : memref<100000x128xf32, #tpu.memory_space<hbm>>) dst(%dma_wait3A_524 : memref<16x128xf32, #tpu.memory_space<vmem>>)
    %dma_wait3A_528 = arith.constant 256 : i32
    %dma_wait3A_529 = arith.constant 0 : i32
    %dma_wait3A_530 = tpu.memref_slice %arg8[%dma_wait3A_528, %dma_wait3A_529] : memref<384x128xf32, #tpu.memory_space<vmem>> -> memref<16x128xf32, #tpu.memory_space<vmem>>
    %dma_wait3A_531 = arith.constant 0 : i32
    %dma_wait3A_532 = arith.constant 0 : i32
    %dma_wait3A_533 = tpu.memref_slice %arg2[%dma_wait3A_531, %dma_wait3A_532] : memref<100000x128xf32, #tpu.memory_space<hbm>> -> memref<100000x128xf32, #tpu.memory_space<hbm>>
    tpu.wait_indirect_dma semaphore(%arg9 : memref<!tpu.dma_semaphore, #tpu.memory_space<semaphore_mem>>) src(%dma_wait3A_533 : memref<100000x128xf32, #tpu.memory_space<hbm>>) dst(%dma_wait3A_530 : memref<16x128xf32, #tpu.memory_space<vmem>>)
    %dma_wait3A_534 = arith.constant 272 : i32
    %dma_wait3A_535 = arith.constant 0 : i32
    %dma_wait3A_536 = tpu.memref_slice %arg8[%dma_wait3A_534, %dma_wait3A_535] : memref<384x128xf32, #tpu.memory_space<vmem>> -> memref<16x128xf32, #tpu.memory_space<vmem>>
    %dma_wait3A_537 = arith.constant 0 : i32
    %dma_wait3A_538 = arith.constant 0 : i32
    %dma_wait3A_539 = tpu.memref_slice %arg2[%dma_wait3A_537, %dma_wait3A_538] : memref<100000x128xf32, #tpu.memory_space<hbm>> -> memref<100000x128xf32, #tpu.memory_space<hbm>>
    tpu.wait_indirect_dma semaphore(%arg9 : memref<!tpu.dma_semaphore, #tpu.memory_space<semaphore_mem>>) src(%dma_wait3A_539 : memref<100000x128xf32, #tpu.memory_space<hbm>>) dst(%dma_wait3A_536 : memref<16x128xf32, #tpu.memory_space<vmem>>)
    %dma_wait3A_540 = arith.constant 288 : i32
    %dma_wait3A_541 = arith.constant 0 : i32
    %dma_wait3A_542 = tpu.memref_slice %arg8[%dma_wait3A_540, %dma_wait3A_541] : memref<384x128xf32, #tpu.memory_space<vmem>> -> memref<16x128xf32, #tpu.memory_space<vmem>>
    %dma_wait3A_543 = arith.constant 0 : i32
    %dma_wait3A_544 = arith.constant 0 : i32
    %dma_wait3A_545 = tpu.memref_slice %arg2[%dma_wait3A_543, %dma_wait3A_544] : memref<100000x128xf32, #tpu.memory_space<hbm>> -> memref<100000x128xf32, #tpu.memory_space<hbm>>
    tpu.wait_indirect_dma semaphore(%arg9 : memref<!tpu.dma_semaphore, #tpu.memory_space<semaphore_mem>>) src(%dma_wait3A_545 : memref<100000x128xf32, #tpu.memory_space<hbm>>) dst(%dma_wait3A_542 : memref<16x128xf32, #tpu.memory_space<vmem>>)
    %dma_wait3A_546 = arith.constant 304 : i32
    %dma_wait3A_547 = arith.constant 0 : i32
    %dma_wait3A_548 = tpu.memref_slice %arg8[%dma_wait3A_546, %dma_wait3A_547] : memref<384x128xf32, #tpu.memory_space<vmem>> -> memref<16x128xf32, #tpu.memory_space<vmem>>
    %dma_wait3A_549 = arith.constant 0 : i32
    %dma_wait3A_550 = arith.constant 0 : i32
    %dma_wait3A_551 = tpu.memref_slice %arg2[%dma_wait3A_549, %dma_wait3A_550] : memref<100000x128xf32, #tpu.memory_space<hbm>> -> memref<100000x128xf32, #tpu.memory_space<hbm>>
    tpu.wait_indirect_dma semaphore(%arg9 : memref<!tpu.dma_semaphore, #tpu.memory_space<semaphore_mem>>) src(%dma_wait3A_551 : memref<100000x128xf32, #tpu.memory_space<hbm>>) dst(%dma_wait3A_548 : memref<16x128xf32, #tpu.memory_space<vmem>>)
    %dma_wait3A_552 = arith.constant 320 : i32
    %dma_wait3A_553 = arith.constant 0 : i32
    %dma_wait3A_554 = tpu.memref_slice %arg8[%dma_wait3A_552, %dma_wait3A_553] : memref<384x128xf32, #tpu.memory_space<vmem>> -> memref<16x128xf32, #tpu.memory_space<vmem>>
    %dma_wait3A_555 = arith.constant 0 : i32
    %dma_wait3A_556 = arith.constant 0 : i32
    %dma_wait3A_557 = tpu.memref_slice %arg2[%dma_wait3A_555, %dma_wait3A_556] : memref<100000x128xf32, #tpu.memory_space<hbm>> -> memref<100000x128xf32, #tpu.memory_space<hbm>>
    tpu.wait_indirect_dma semaphore(%arg9 : memref<!tpu.dma_semaphore, #tpu.memory_space<semaphore_mem>>) src(%dma_wait3A_557 : memref<100000x128xf32, #tpu.memory_space<hbm>>) dst(%dma_wait3A_554 : memref<16x128xf32, #tpu.memory_space<vmem>>)
    %dma_wait3A_558 = arith.constant 336 : i32
    %dma_wait3A_559 = arith.constant 0 : i32
    %dma_wait3A_560 = tpu.memref_slice %arg8[%dma_wait3A_558, %dma_wait3A_559] : memref<384x128xf32, #tpu.memory_space<vmem>> -> memref<16x128xf32, #tpu.memory_space<vmem>>
    %dma_wait3A_561 = arith.constant 0 : i32
    %dma_wait3A_562 = arith.constant 0 : i32
    %dma_wait3A_563 = tpu.memref_slice %arg2[%dma_wait3A_561, %dma_wait3A_562] : memref<100000x128xf32, #tpu.memory_space<hbm>> -> memref<100000x128xf32, #tpu.memory_space<hbm>>
    tpu.wait_indirect_dma semaphore(%arg9 : memref<!tpu.dma_semaphore, #tpu.memory_space<semaphore_mem>>) src(%dma_wait3A_563 : memref<100000x128xf32, #tpu.memory_space<hbm>>) dst(%dma_wait3A_560 : memref<16x128xf32, #tpu.memory_space<vmem>>)
    %dma_wait3A_564 = arith.constant 352 : i32
    %dma_wait3A_565 = arith.constant 0 : i32
    %dma_wait3A_566 = tpu.memref_slice %arg8[%dma_wait3A_564, %dma_wait3A_565] : memref<384x128xf32, #tpu.memory_space<vmem>> -> memref<16x128xf32, #tpu.memory_space<vmem>>
    %dma_wait3A_567 = arith.constant 0 : i32
    %dma_wait3A_568 = arith.constant 0 : i32
    %dma_wait3A_569 = tpu.memref_slice %arg2[%dma_wait3A_567, %dma_wait3A_568] : memref<100000x128xf32, #tpu.memory_space<hbm>> -> memref<100000x128xf32, #tpu.memory_space<hbm>>
    tpu.wait_indirect_dma semaphore(%arg9 : memref<!tpu.dma_semaphore, #tpu.memory_space<semaphore_mem>>) src(%dma_wait3A_569 : memref<100000x128xf32, #tpu.memory_space<hbm>>) dst(%dma_wait3A_566 : memref<16x128xf32, #tpu.memory_space<vmem>>)
    %dma_wait3A_570 = arith.constant 368 : i32
    %dma_wait3A_571 = arith.constant 0 : i32
    %dma_wait3A_572 = tpu.memref_slice %arg8[%dma_wait3A_570, %dma_wait3A_571] : memref<384x128xf32, #tpu.memory_space<vmem>> -> memref<16x128xf32, #tpu.memory_space<vmem>>
    %dma_wait3A_573 = arith.constant 0 : i32
    %dma_wait3A_574 = arith.constant 0 : i32
    %dma_wait3A_575 = tpu.memref_slice %arg2[%dma_wait3A_573, %dma_wait3A_574] : memref<100000x128xf32, #tpu.memory_space<hbm>> -> memref<100000x128xf32, #tpu.memory_space<hbm>>
    tpu.wait_indirect_dma semaphore(%arg9 : memref<!tpu.dma_semaphore, #tpu.memory_space<semaphore_mem>>) src(%dma_wait3A_575 : memref<100000x128xf32, #tpu.memory_space<hbm>>) dst(%dma_wait3A_572 : memref<16x128xf32, #tpu.memory_space<vmem>>)
    %mul3A_576 = arith.constant 384 : i32
    %mul3A_577 = arith.muli %add3A, %mul3A_576 : i32
    "tpu.region"() ({
      %run_scoped3A = tpu.sem_alloc : memref<!tpu.dma_semaphore, #tpu.memory_space<semaphore_mem>>
      %dma_start3A_578 = arith.constant 0 : i32
      %dma_start3A_579 = tpu.memref_slice %arg5[%mul3A_577, %dma_start3A_578] : memref<12288x128xf32, #tpu.memory_space<hbm>> -> memref<384x128xf32, #tpu.memory_space<hbm>>
      %dma_start3A_580 = arith.constant 0 : i32
      %dma_start3A_581 = tpu.memref_slice %arg5[%mul3A_577, %dma_start3A_580] : memref<12288x128xf32, #tpu.memory_space<hbm>> -> memref<384x128xf32, #tpu.memory_space<hbm>>
      tpu.enqueue_dma source(%arg8 : memref<384x128xf32, #tpu.memory_space<vmem>>) target(%dma_start3A_581 : memref<384x128xf32, #tpu.memory_space<hbm>>) target_semaphore(%run_scoped3A : memref<!tpu.dma_semaphore, #tpu.memory_space<semaphore_mem>>)
      %dma_wait3A_582 = arith.constant 0 : i32
      %dma_wait3A_583 = tpu.memref_slice %arg5[%mul3A_577, %dma_wait3A_582] : memref<12288x128xf32, #tpu.memory_space<hbm>> -> memref<384x128xf32, #tpu.memory_space<hbm>>
      %dma_wait3A_584 = arith.constant 0 : i32
      %dma_wait3A_585 = tpu.memref_slice %arg5[%mul3A_577, %dma_wait3A_584] : memref<12288x128xf32, #tpu.memory_space<hbm>> -> memref<384x128xf32, #tpu.memory_space<hbm>>
      tpu.wait_dma2 semaphore(%run_scoped3A : memref<!tpu.dma_semaphore, #tpu.memory_space<semaphore_mem>>) src(%arg8 : memref<384x128xf32, #tpu.memory_space<vmem>>) dst(%dma_wait3A_585 : memref<384x128xf32, #tpu.memory_space<hbm>>)
      tpu.yield
    }) : () -> ()
    return
  }
}

module attributes {stable_mosaic.version = 14 : i64} {
  func.func @_tc_body(%arg0: i32, %arg1: memref<200x10000xf32, #tpu.memory_space<vmem>>, %arg2: memref<12288x128xf32, #tpu.memory_space<vmem>>, %arg3: memref<256x128xf32, #tpu.memory_space<vmem>>, %arg4: memref<1024x2000xf32, #tpu.memory_space<vmem>>, %arg5: memref<3072x1xi32, #tpu.memory_space<vmem>>, %arg6: memref<256x128xf32, #tpu.memory_space<vmem>>, %arg7: memref<1024x128xf32, #tpu.memory_space<vmem>>, %arg8: memref<2000x128xf32, #tpu.memory_space<vmem>>, %arg9: memref<2000x128xf32, #tpu.memory_space<vmem>>) attributes {dimension_semantics = [#tpu.dimension_semantics<arbitrary>], iteration_bounds = array<i64: 10>, scalar_prefetch = 0 : i64, scratch_operands = 2 : i64, tpu.core_type = #tpu.core_type<tc>, window_params = [{transform_indices = @transform_0, window_bounds = array<i64: 200, 10000>}, {pipeline_mode = #tpu.pipeline_mode<synchronous>, transform_indices = @transform_1, window_bounds = array<i64: 12288, 128>}, {pipeline_mode = #tpu.pipeline_mode<synchronous>, transform_indices = @transform_2, window_bounds = array<i64: 256, 128>}, {pipeline_mode = #tpu.pipeline_mode<synchronous>, transform_indices = @transform_3, window_bounds = array<i64: 1024, 2000>}, {pipeline_mode = #tpu.pipeline_mode<synchronous>, transform_indices = @transform_4, window_bounds = array<i64: 3072, 1>}, {pipeline_mode = #tpu.pipeline_mode<synchronous>, transform_indices = @transform_5, window_bounds = array<i64: 256, 128>}, {pipeline_mode = #tpu.pipeline_mode<synchronous>, transform_indices = @transform_6, window_bounds = array<i64: 1024, 128>}]} {
    %get3A = arith.constant 2000 : index
    %get3A_0 = arith.constant 0 : index
    %get3A_1 = vector.load %arg2[%get3A, %get3A_0] : memref<12288x128xf32, #tpu.memory_space<vmem>>, vector<10000x128xf32>
    %get3A_2 = arith.constant 0 : index
    %get3A_3 = arith.constant 0 : index
    %get3A_4 = vector.load %arg1[%get3A_2, %get3A_3] : memref<200x10000xf32, #tpu.memory_space<vmem>>, vector<200x10000xf32>
    %dot_general3A = arith.constant dense<0.000000e+00> : vector<200x128xf32>
    %dot_general3A_5 = tpu.matmul %get3A_4, %get3A_1, %dot_general3A {dimension_numbers = #tpu.dot_dimension_numbers<[1], [0], [0], [1], [0, 0, 1, 1], [], []>, transpose_lhs_hint = false} : vector<200x10000xf32>, vector<10000x128xf32>, vector<200x128xf32> -> vector<200x128xf32>
    %mul3A = arith.constant 200 : i32
    %mul3A_6 = arith.muli %arg0, %mul3A : i32
    %get3A_7 = arith.index_cast %mul3A_6 : i32 to index
    %get3A_8 = arith.constant 0 : index
    %get3A_9 = vector.load %arg2[%get3A_7, %get3A_8] : memref<12288x128xf32, #tpu.memory_space<vmem>>, vector<200x128xf32>
    %get3A_10 = arith.constant 0 : index
    %get3A_11 = arith.constant 0 : index
    %get3A_12 = vector.load %arg3[%get3A_10, %get3A_11] : memref<256x128xf32, #tpu.memory_space<vmem>>, vector<128x128xf32>
    %dot_general3A_13 = arith.constant dense<0.000000e+00> : vector<200x128xf32>
    %dot_general3A_14 = tpu.matmul %get3A_9, %get3A_12, %dot_general3A_13 {dimension_numbers = #tpu.dot_dimension_numbers<[1], [0], [0], [1], [0, 0, 1, 1], [], []>, transpose_lhs_hint = false} : vector<200x128xf32>, vector<128x128xf32>, vector<200x128xf32> -> vector<200x128xf32>
    %get3A_15 = arith.constant 128 : index
    %get3A_16 = arith.constant 0 : index
    %get3A_17 = vector.load %arg3[%get3A_15, %get3A_16] : memref<256x128xf32, #tpu.memory_space<vmem>>, vector<128x128xf32>
    %dot_general3A_18 = arith.constant dense<0.000000e+00> : vector<200x128xf32>
    %dot_general3A_19 = tpu.matmul %dot_general3A_5, %get3A_17, %dot_general3A_18 {dimension_numbers = #tpu.dot_dimension_numbers<[1], [0], [0], [1], [0, 0, 1, 1], [], []>, transpose_lhs_hint = false} : vector<200x128xf32>, vector<128x128xf32>, vector<200x128xf32> -> vector<200x128xf32>
    %add3A = arith.addf %dot_general3A_14, %dot_general3A_19 : vector<200x128xf32>
    %max3A = arith.constant 0.000000e+00 : f32
    %max3A_20 = vector.broadcast %max3A : f32 to vector<200x128xf32>
    %max3A_21 = arith.maximumf %add3A, %max3A_20 : vector<200x128xf32>
    %mul3A_22 = arith.constant 200 : i32
    %mul3A_23 = arith.muli %arg0, %mul3A_22 : i32
    %swap3A = arith.index_cast %mul3A_23 : i32 to index
    %swap3A_24 = arith.constant 0 : index
    %swap3A_25 = vector.load %arg8[%swap3A, %swap3A_24] : memref<2000x128xf32, #tpu.memory_space<vmem>>, vector<200x128xf32>
    tpu.vector_store %arg8[%swap3A, %swap3A_24], %max3A_21 {strides = array<i32>} : memref<2000x128xf32, #tpu.memory_space<vmem>>, vector<200x128xf32>,
    %eq3A = arith.constant 9 : i32
    %eq3A_26 = arith.cmpi eq, %arg0, %eq3A : i32
    %convert_element_type3A = arith.extui %eq3A_26 : i1 to i32
    %cond3A = arith.constant 0 : i32
    %cond3A_27 = arith.cmpi ne, %convert_element_type3A, %cond3A : i32
    scf.if %cond3A_27 {
      %get3A_28 = arith.constant 0 : index
      %get3A_29 = arith.constant 0 : index
      %get3A_30 = vector.load %arg8[%get3A_28, %get3A_29] : memref<2000x128xf32, #tpu.memory_space<vmem>>, vector<2000x128xf32>
      %get3A_31 = arith.constant 0 : index
      %get3A_32 = arith.constant 0 : index
      %get3A_33 = vector.load %arg5[%get3A_31, %get3A_32] : memref<3072x1xi32, #tpu.memory_space<vmem>>, vector<400x1xi32>
      %iota3A = tpu.iota {dimensions = array<i32: 1>} : vector<400x2000xi32>
      %eq3A_34 = vector.broadcast %get3A_33 : vector<400x1xi32> to vector<400x2000xi32>
      %eq3A_35 = arith.cmpi eq, %eq3A_34, %iota3A : vector<400x2000xi32>
      %convert_element_type3A_36 = arith.extui %eq3A_35 : vector<400x2000xi1> to vector<400x2000xi32>
      %convert_element_type3A_37 = arith.sitofp %convert_element_type3A_36 : vector<400x2000xi32> to vector<400x2000xf32>
      %dot_general3A_38 = arith.constant dense<0.000000e+00> : vector<400x128xf32>
      %dot_general3A_39 = tpu.matmul %convert_element_type3A_37, %get3A_30, %dot_general3A_38 {dimension_numbers = #tpu.dot_dimension_numbers<[1], [0], [0], [1], [0, 0, 1, 1], [], []>, transpose_lhs_hint = false} : vector<400x2000xf32>, vector<2000x128xf32>, vector<400x128xf32> -> vector<400x128xf32>
      %swap3A_40 = arith.constant 0 : index
      %swap3A_41 = arith.constant 0 : index
      %swap3A_42 = vector.load %arg9[%swap3A_40, %swap3A_41] : memref<2000x128xf32, #tpu.memory_space<vmem>>, vector<400x128xf32>
      tpu.vector_store %arg9[%swap3A_40, %swap3A_41], %dot_general3A_39 {strides = array<i32>} : memref<2000x128xf32, #tpu.memory_space<vmem>>, vector<400x128xf32>,
      %get3A_43 = arith.constant 400 : index
      %get3A_44 = arith.constant 0 : index
      %get3A_45 = vector.load %arg5[%get3A_43, %get3A_44] : memref<3072x1xi32, #tpu.memory_space<vmem>>, vector<400x1xi32>
      %iota3A_46 = tpu.iota {dimensions = array<i32: 1>} : vector<400x2000xi32>
      %eq3A_47 = vector.broadcast %get3A_45 : vector<400x1xi32> to vector<400x2000xi32>
      %eq3A_48 = arith.cmpi eq, %eq3A_47, %iota3A_46 : vector<400x2000xi32>
      %convert_element_type3A_49 = arith.extui %eq3A_48 : vector<400x2000xi1> to vector<400x2000xi32>
      %convert_element_type3A_50 = arith.sitofp %convert_element_type3A_49 : vector<400x2000xi32> to vector<400x2000xf32>
      %dot_general3A_51 = arith.constant dense<0.000000e+00> : vector<400x128xf32>
      %dot_general3A_52 = tpu.matmul %convert_element_type3A_50, %get3A_30, %dot_general3A_51 {dimension_numbers = #tpu.dot_dimension_numbers<[1], [0], [0], [1], [0, 0, 1, 1], [], []>, transpose_lhs_hint = false} : vector<400x2000xf32>, vector<2000x128xf32>, vector<400x128xf32> -> vector<400x128xf32>
      %swap3A_53 = arith.constant 400 : index
      %swap3A_54 = arith.constant 0 : index
      %swap3A_55 = vector.load %arg9[%swap3A_53, %swap3A_54] : memref<2000x128xf32, #tpu.memory_space<vmem>>, vector<400x128xf32>
      tpu.vector_store %arg9[%swap3A_53, %swap3A_54], %dot_general3A_52 {strides = array<i32>} : memref<2000x128xf32, #tpu.memory_space<vmem>>, vector<400x128xf32>,
      %get3A_56 = arith.constant 800 : index
      %get3A_57 = arith.constant 0 : index
      %get3A_58 = vector.load %arg5[%get3A_56, %get3A_57] : memref<3072x1xi32, #tpu.memory_space<vmem>>, vector<400x1xi32>
      %iota3A_59 = tpu.iota {dimensions = array<i32: 1>} : vector<400x2000xi32>
      %eq3A_60 = vector.broadcast %get3A_58 : vector<400x1xi32> to vector<400x2000xi32>
      %eq3A_61 = arith.cmpi eq, %eq3A_60, %iota3A_59 : vector<400x2000xi32>
      %convert_element_type3A_62 = arith.extui %eq3A_61 : vector<400x2000xi1> to vector<400x2000xi32>
      %convert_element_type3A_63 = arith.sitofp %convert_element_type3A_62 : vector<400x2000xi32> to vector<400x2000xf32>
      %dot_general3A_64 = arith.constant dense<0.000000e+00> : vector<400x128xf32>
      %dot_general3A_65 = tpu.matmul %convert_element_type3A_63, %get3A_30, %dot_general3A_64 {dimension_numbers = #tpu.dot_dimension_numbers<[1], [0], [0], [1], [0, 0, 1, 1], [], []>, transpose_lhs_hint = false} : vector<400x2000xf32>, vector<2000x128xf32>, vector<400x128xf32> -> vector<400x128xf32>
      %swap3A_66 = arith.constant 800 : index
      %swap3A_67 = arith.constant 0 : index
      %swap3A_68 = vector.load %arg9[%swap3A_66, %swap3A_67] : memref<2000x128xf32, #tpu.memory_space<vmem>>, vector<400x128xf32>
      tpu.vector_store %arg9[%swap3A_66, %swap3A_67], %dot_general3A_65 {strides = array<i32>} : memref<2000x128xf32, #tpu.memory_space<vmem>>, vector<400x128xf32>,
      %get3A_69 = arith.constant 1200 : index
      %get3A_70 = arith.constant 0 : index
      %get3A_71 = vector.load %arg5[%get3A_69, %get3A_70] : memref<3072x1xi32, #tpu.memory_space<vmem>>, vector<400x1xi32>
      %iota3A_72 = tpu.iota {dimensions = array<i32: 1>} : vector<400x2000xi32>
      %eq3A_73 = vector.broadcast %get3A_71 : vector<400x1xi32> to vector<400x2000xi32>
      %eq3A_74 = arith.cmpi eq, %eq3A_73, %iota3A_72 : vector<400x2000xi32>
      %convert_element_type3A_75 = arith.extui %eq3A_74 : vector<400x2000xi1> to vector<400x2000xi32>
      %convert_element_type3A_76 = arith.sitofp %convert_element_type3A_75 : vector<400x2000xi32> to vector<400x2000xf32>
      %dot_general3A_77 = arith.constant dense<0.000000e+00> : vector<400x128xf32>
      %dot_general3A_78 = tpu.matmul %convert_element_type3A_76, %get3A_30, %dot_general3A_77 {dimension_numbers = #tpu.dot_dimension_numbers<[1], [0], [0], [1], [0, 0, 1, 1], [], []>, transpose_lhs_hint = false} : vector<400x2000xf32>, vector<2000x128xf32>, vector<400x128xf32> -> vector<400x128xf32>
      %swap3A_79 = arith.constant 1200 : index
      %swap3A_80 = arith.constant 0 : index
      %swap3A_81 = vector.load %arg9[%swap3A_79, %swap3A_80] : memref<2000x128xf32, #tpu.memory_space<vmem>>, vector<400x128xf32>
      tpu.vector_store %arg9[%swap3A_79, %swap3A_80], %dot_general3A_78 {strides = array<i32>} : memref<2000x128xf32, #tpu.memory_space<vmem>>, vector<400x128xf32>,
      %get3A_82 = arith.constant 1600 : index
      %get3A_83 = arith.constant 0 : index
      %get3A_84 = vector.load %arg5[%get3A_82, %get3A_83] : memref<3072x1xi32, #tpu.memory_space<vmem>>, vector<400x1xi32>
      %iota3A_85 = tpu.iota {dimensions = array<i32: 1>} : vector<400x2000xi32>
      %eq3A_86 = vector.broadcast %get3A_84 : vector<400x1xi32> to vector<400x2000xi32>
      %eq3A_87 = arith.cmpi eq, %eq3A_86, %iota3A_85 : vector<400x2000xi32>
      %convert_element_type3A_88 = arith.extui %eq3A_87 : vector<400x2000xi1> to vector<400x2000xi32>
      %convert_element_type3A_89 = arith.sitofp %convert_element_type3A_88 : vector<400x2000xi32> to vector<400x2000xf32>
      %dot_general3A_90 = arith.constant dense<0.000000e+00> : vector<400x128xf32>
      %dot_general3A_91 = tpu.matmul %convert_element_type3A_89, %get3A_30, %dot_general3A_90 {dimension_numbers = #tpu.dot_dimension_numbers<[1], [0], [0], [1], [0, 0, 1, 1], [], []>, transpose_lhs_hint = false} : vector<400x2000xf32>, vector<2000x128xf32>, vector<400x128xf32> -> vector<400x128xf32>
      %swap3A_92 = arith.constant 1600 : index
      %swap3A_93 = arith.constant 0 : index
      %swap3A_94 = vector.load %arg9[%swap3A_92, %swap3A_93] : memref<2000x128xf32, #tpu.memory_space<vmem>>, vector<400x128xf32>
      tpu.vector_store %arg9[%swap3A_92, %swap3A_93], %dot_general3A_91 {strides = array<i32>} : memref<2000x128xf32, #tpu.memory_space<vmem>>, vector<400x128xf32>,
      %get3A_95 = arith.constant 0 : index
      %get3A_96 = arith.constant 0 : index
      %get3A_97 = vector.load %arg6[%get3A_95, %get3A_96] : memref<256x128xf32, #tpu.memory_space<vmem>>, vector<128x128xf32>
      %dot_general3A_98 = arith.constant dense<0.000000e+00> : vector<2000x128xf32>
      %dot_general3A_99 = tpu.matmul %get3A_30, %get3A_97, %dot_general3A_98 {dimension_numbers = #tpu.dot_dimension_numbers<[1], [0], [0], [1], [0, 0, 1, 1], [], []>, transpose_lhs_hint = false} : vector<2000x128xf32>, vector<128x128xf32>, vector<2000x128xf32> -> vector<2000x128xf32>
      %get3A_100 = arith.constant 0 : index
      %get3A_101 = arith.constant 0 : index
      %get3A_102 = vector.load %arg4[%get3A_100, %get3A_101] : memref<1024x2000xf32, #tpu.memory_space<vmem>>, vector<1024x2000xf32>
      %get3A_103 = arith.constant 0 : index
      %get3A_104 = arith.constant 0 : index
      %get3A_105 = vector.load %arg9[%get3A_103, %get3A_104] : memref<2000x128xf32, #tpu.memory_space<vmem>>, vector<2000x128xf32>
      %dot_general3A_106 = arith.constant dense<0.000000e+00> : vector<1024x128xf32>
      %dot_general3A_107 = tpu.matmul %get3A_102, %get3A_105, %dot_general3A_106 {dimension_numbers = #tpu.dot_dimension_numbers<[1], [0], [0], [1], [0, 0, 1, 1], [], []>, transpose_lhs_hint = false} : vector<1024x2000xf32>, vector<2000x128xf32>, vector<1024x128xf32> -> vector<1024x128xf32>
      %get3A_108 = arith.constant 128 : index
      %get3A_109 = arith.constant 0 : index
      %get3A_110 = vector.load %arg6[%get3A_108, %get3A_109] : memref<256x128xf32, #tpu.memory_space<vmem>>, vector<128x128xf32>
      %dot_general3A_111 = arith.constant dense<0.000000e+00> : vector<1024x128xf32>
      %dot_general3A_112 = tpu.matmul %dot_general3A_107, %get3A_110, %dot_general3A_111 {dimension_numbers = #tpu.dot_dimension_numbers<[1], [0], [0], [1], [0, 0, 1, 1], [], []>, transpose_lhs_hint = false} : vector<1024x128xf32>, vector<128x128xf32>, vector<1024x128xf32> -> vector<1024x128xf32>
      %get3A_113 = arith.constant 2000 : index
      %get3A_114 = arith.constant 0 : index
      %get3A_115 = vector.load %arg5[%get3A_113, %get3A_114] : memref<3072x1xi32, #tpu.memory_space<vmem>>, vector<256x1xi32>
      %iota3A_116 = tpu.iota {dimensions = array<i32: 1>} : vector<256x2000xi32>
      %eq3A_117 = vector.broadcast %get3A_115 : vector<256x1xi32> to vector<256x2000xi32>
      %eq3A_118 = arith.cmpi eq, %eq3A_117, %iota3A_116 : vector<256x2000xi32>
      %convert_element_type3A_119 = arith.extui %eq3A_118 : vector<256x2000xi1> to vector<256x2000xi32>
      %convert_element_type3A_120 = arith.sitofp %convert_element_type3A_119 : vector<256x2000xi32> to vector<256x2000xf32>
      %dot_general3A_121 = arith.constant dense<0.000000e+00> : vector<256x128xf32>
      %dot_general3A_122 = tpu.matmul %convert_element_type3A_120, %dot_general3A_99, %dot_general3A_121 {dimension_numbers = #tpu.dot_dimension_numbers<[1], [0], [0], [1], [0, 0, 1, 1], [], []>, transpose_lhs_hint = false} : vector<256x2000xf32>, vector<2000x128xf32>, vector<256x128xf32> -> vector<256x128xf32>
      %slice3A = vector.extract_strided_slice %dot_general3A_112 {offsets = [0, 0], sizes = [256, 128], strides = [1, 1]} : vector<1024x128xf32> to vector<256x128xf32>
      %add3A_123 = arith.addf %dot_general3A_122, %slice3A : vector<256x128xf32>
      %swap3A_124 = arith.constant 0 : index
      %swap3A_125 = arith.constant 0 : index
      %swap3A_126 = vector.load %arg7[%swap3A_124, %swap3A_125] : memref<1024x128xf32, #tpu.memory_space<vmem>>, vector<256x128xf32>
      tpu.vector_store %arg7[%swap3A_124, %swap3A_125], %add3A_123 {strides = array<i32>} : memref<1024x128xf32, #tpu.memory_space<vmem>>, vector<256x128xf32>,
      %get3A_127 = arith.constant 2256 : index
      %get3A_128 = arith.constant 0 : index
      %get3A_129 = vector.load %arg5[%get3A_127, %get3A_128] : memref<3072x1xi32, #tpu.memory_space<vmem>>, vector<256x1xi32>
      %iota3A_130 = tpu.iota {dimensions = array<i32: 1>} : vector<256x2000xi32>
      %eq3A_131 = vector.broadcast %get3A_129 : vector<256x1xi32> to vector<256x2000xi32>
      %eq3A_132 = arith.cmpi eq, %eq3A_131, %iota3A_130 : vector<256x2000xi32>
      %convert_element_type3A_133 = arith.extui %eq3A_132 : vector<256x2000xi1> to vector<256x2000xi32>
      %convert_element_type3A_134 = arith.sitofp %convert_element_type3A_133 : vector<256x2000xi32> to vector<256x2000xf32>
      %dot_general3A_135 = arith.constant dense<0.000000e+00> : vector<256x128xf32>
      %dot_general3A_136 = tpu.matmul %convert_element_type3A_134, %dot_general3A_99, %dot_general3A_135 {dimension_numbers = #tpu.dot_dimension_numbers<[1], [0], [0], [1], [0, 0, 1, 1], [], []>, transpose_lhs_hint = false} : vector<256x2000xf32>, vector<2000x128xf32>, vector<256x128xf32> -> vector<256x128xf32>
      %slice3A_137 = vector.extract_strided_slice %dot_general3A_112 {offsets = [256, 0], sizes = [256, 128], strides = [1, 1]} : vector<1024x128xf32> to vector<256x128xf32>
      %add3A_138 = arith.addf %dot_general3A_136, %slice3A_137 : vector<256x128xf32>
      %swap3A_139 = arith.constant 256 : index
      %swap3A_140 = arith.constant 0 : index
      %swap3A_141 = vector.load %arg7[%swap3A_139, %swap3A_140] : memref<1024x128xf32, #tpu.memory_space<vmem>>, vector<256x128xf32>
      tpu.vector_store %arg7[%swap3A_139, %swap3A_140], %add3A_138 {strides = array<i32>} : memref<1024x128xf32, #tpu.memory_space<vmem>>, vector<256x128xf32>,
      %get3A_142 = arith.constant 2512 : index
      %get3A_143 = arith.constant 0 : index
      %get3A_144 = vector.load %arg5[%get3A_142, %get3A_143] : memref<3072x1xi32, #tpu.memory_space<vmem>>, vector<256x1xi32>
      %iota3A_145 = tpu.iota {dimensions = array<i32: 1>} : vector<256x2000xi32>
      %eq3A_146 = vector.broadcast %get3A_144 : vector<256x1xi32> to vector<256x2000xi32>
      %eq3A_147 = arith.cmpi eq, %eq3A_146, %iota3A_145 : vector<256x2000xi32>
      %convert_element_type3A_148 = arith.extui %eq3A_147 : vector<256x2000xi1> to vector<256x2000xi32>
      %convert_element_type3A_149 = arith.sitofp %convert_element_type3A_148 : vector<256x2000xi32> to vector<256x2000xf32>
      %dot_general3A_150 = arith.constant dense<0.000000e+00> : vector<256x128xf32>
      %dot_general3A_151 = tpu.matmul %convert_element_type3A_149, %dot_general3A_99, %dot_general3A_150 {dimension_numbers = #tpu.dot_dimension_numbers<[1], [0], [0], [1], [0, 0, 1, 1], [], []>, transpose_lhs_hint = false} : vector<256x2000xf32>, vector<2000x128xf32>, vector<256x128xf32> -> vector<256x128xf32>
      %slice3A_152 = vector.extract_strided_slice %dot_general3A_112 {offsets = [512, 0], sizes = [256, 128], strides = [1, 1]} : vector<1024x128xf32> to vector<256x128xf32>
      %add3A_153 = arith.addf %dot_general3A_151, %slice3A_152 : vector<256x128xf32>
      %swap3A_154 = arith.constant 512 : index
      %swap3A_155 = arith.constant 0 : index
      %swap3A_156 = vector.load %arg7[%swap3A_154, %swap3A_155] : memref<1024x128xf32, #tpu.memory_space<vmem>>, vector<256x128xf32>
      tpu.vector_store %arg7[%swap3A_154, %swap3A_155], %add3A_153 {strides = array<i32>} : memref<1024x128xf32, #tpu.memory_space<vmem>>, vector<256x128xf32>,
      %get3A_157 = arith.constant 2768 : index
      %get3A_158 = arith.constant 0 : index
      %get3A_159 = vector.load %arg5[%get3A_157, %get3A_158] : memref<3072x1xi32, #tpu.memory_space<vmem>>, vector<256x1xi32>
      %iota3A_160 = tpu.iota {dimensions = array<i32: 1>} : vector<256x2000xi32>
      %eq3A_161 = vector.broadcast %get3A_159 : vector<256x1xi32> to vector<256x2000xi32>
      %eq3A_162 = arith.cmpi eq, %eq3A_161, %iota3A_160 : vector<256x2000xi32>
      %convert_element_type3A_163 = arith.extui %eq3A_162 : vector<256x2000xi1> to vector<256x2000xi32>
      %convert_element_type3A_164 = arith.sitofp %convert_element_type3A_163 : vector<256x2000xi32> to vector<256x2000xf32>
      %dot_general3A_165 = arith.constant dense<0.000000e+00> : vector<256x128xf32>
      %dot_general3A_166 = tpu.matmul %convert_element_type3A_164, %dot_general3A_99, %dot_general3A_165 {dimension_numbers = #tpu.dot_dimension_numbers<[1], [0], [0], [1], [0, 0, 1, 1], [], []>, transpose_lhs_hint = false} : vector<256x2000xf32>, vector<2000x128xf32>, vector<256x128xf32> -> vector<256x128xf32>
      %slice3A_167 = vector.extract_strided_slice %dot_general3A_112 {offsets = [768, 0], sizes = [256, 128], strides = [1, 1]} : vector<1024x128xf32> to vector<256x128xf32>
      %add3A_168 = arith.addf %dot_general3A_166, %slice3A_167 : vector<256x128xf32>
      %swap3A_169 = arith.constant 768 : index
      %swap3A_170 = arith.constant 0 : index
      %swap3A_171 = vector.load %arg7[%swap3A_169, %swap3A_170] : memref<1024x128xf32, #tpu.memory_space<vmem>>, vector<256x128xf32>
      tpu.vector_store %arg7[%swap3A_169, %swap3A_170], %add3A_168 {strides = array<i32>} : memref<1024x128xf32, #tpu.memory_space<vmem>>, vector<256x128xf32>,
    } else {
    }
    return
  }
  func.func @transform_0(%arg0: i32) -> (i32, i32) {
    %c0_i32 = arith.constant 0 : i32
    %c0_i32_0 = arith.constant 0 : i32
    return %arg0, %c0_i32 : i32, i32
  }
  func.func @transform_1(%arg0: i32) -> (i32, i32) {
    %c0_i32 = arith.constant 0 : i32
    %c0_i32_0 = arith.constant 0 : i32
    %c0_i32_1 = arith.constant 0 : i32
    return %c0_i32, %c0_i32_0 : i32, i32
  }
  func.func @transform_2(%arg0: i32) -> (i32, i32) {
    %c0_i32 = arith.constant 0 : i32
    %c0_i32_0 = arith.constant 0 : i32
    %c0_i32_1 = arith.constant 0 : i32
    return %c0_i32, %c0_i32_0 : i32, i32
  }
  func.func @transform_3(%arg0: i32) -> (i32, i32) {
    %c0_i32 = arith.constant 0 : i32
    %c0_i32_0 = arith.constant 0 : i32
    %c0_i32_1 = arith.constant 0 : i32
    return %c0_i32, %c0_i32_0 : i32, i32
  }
  func.func @transform_4(%arg0: i32) -> (i32, i32) {
    %c0_i32 = arith.constant 0 : i32
    %c0_i32_0 = arith.constant 0 : i32
    %c0_i32_1 = arith.constant 0 : i32
    return %c0_i32, %c0_i32_0 : i32, i32
  }
  func.func @transform_5(%arg0: i32) -> (i32, i32) {
    %c0_i32 = arith.constant 0 : i32
    %c0_i32_0 = arith.constant 0 : i32
    %c0_i32_1 = arith.constant 0 : i32
    return %c0_i32, %c0_i32_0 : i32, i32
  }
  func.func @transform_6(%arg0: i32) -> (i32, i32) {
    %c0_i32 = arith.constant 0 : i32
    %c0_i32_0 = arith.constant 0 : i32
    %c0_i32_1 = arith.constant 0 : i32
    return %c0_i32, %c0_i32_0 : i32, i32
  }
}

</mosaic_0001>

<sc_bundles>
// kernel: kernel.4.cloned.1.call-start
scs
__scs_entry_jumppad:
0x0: {  	(pc) =	sbr.rel $0x88, $3  }
0x1: {  	(tag) =	ssettag $0x0;
	lr =	simm.s32 $0x1  }
0x2: {  	[smem:$0x3F97] =	sst lr;
	_ =	strace $0xD0000000  }
0x3: {  	_ = 	snop  }
0x4: {  	_ = 	snop  }
0x5: {  	_ = 	snop  }
0x6: {  	_ = 	snop  }
0x7: {  	_ = 	snop  }
__scs_overlays_trampoline_lowered:
0x8: {  	[smem:$0x3FA6] =	sst s0  }
0x9: {  	[smem:$0x3FA7] =	sst s1  }
0xa: {  	[smem:$0x3FA8] =	sst s2  }
0xb: {  	[smem:$0x3FA9] =	sst s3  }
0xc: {  	[smem:$0x3FAA] =	sst s4  }
0xd: {  	[smem:$0x3FAB] =	sst s5  }
0xe: {  	[smem:$0x3FAC] =	sst s6  }
0xf: {  	[smem:$0x3FAD] =	sst s7  }
0x10: {  	[smem:$0x3FAE] =	sst s8  }
0x11: {  	[smem:$0x3FAF] =	sst s9;
	s0 =	simm.s32 @!p0 $0x0  }
0x12: {  	s1 =	sld [smem:$0x3F95];
	s0 =	simm.s32 @p0 $0x1  }
0x13: {  	[smem:$0x3FB0] =	sst s0;
	s0 =	simm.s32 @!p1 $0x0  }
0x14: {  	s2 =	sld [smem:$0x3F94];
	s0 =	simm.s32 @p1 $0x1  }
0x15: {  	[smem:$0x3FB1] =	sst s0;
	s0 =	simm.s32 @!p2 $0x0  }
0x16: {  	s3 =	sld [smem:$0x3FDB];
	s0 =	simm.s32 @p2 $0x1  }
0x17: {  	s4 =	simm.s32 $0x1BF5;
	[smem:$0x3FB3] =	sst s0  }
0x18: {  	s0 =	sld [smem:$0x3F96];
	_ =	swait.ge [sflag:s4], $0x0  }
0x19: {  	s7 =	sld [smem:$0x3F97]  }
0x1a: {  	s8 =	sadd.s32 $0xFFFFE003, lr  }
0x1b: {  	s9 =	sadd.s32 $0xFFFFFEF7, lr;
	s5 =	simm.s32 $0xFFFFFFFF;
	p2 =	slt.u32 s8, $0xFFFFF086  }
0x1c: {  	p1 =	slt.u32 s9, $0xF7A;
	s5 =	simm.s32 @!p2 $0x0  }
0x1d: {  	s5 =	simm.s32 @p1 $0x1;
	p0 =	seq.s32 s7, s2  }
0x1e: {  	s7 =	smul.u32 @!p0 $0xF7A, s2;
	p2 =	seq.s32 @!p0 s5, $0x0  }
0x1f: {  	s9 =	smul.u32 $0xF7A, s1;
	s8 =	simm.s32 @!p0 $0x1BF5;
	p2 =	por !p2, p0  }
0x20: {  	[sflag:s8] =	ssyncset.s32 @!p0 $0xFFFFF086;
	s6 =	sadd.s32 @!p0 s3, s7;
	s7 =	simm.s32 @!p0 $0x108  }
0x21: {  	s3 =	sadd.s32 s3, s9;
	s6 =	sadd.s32 @!p0 $0x88, s6;
	s7 =	simm.s32 @p2 $0x1082  }
0x22: {  	[simem:s7], [sflag:s8] =	dma.local @!p0 [hbm:s6], $0xF7A  }
0x23: {  	s9 =	sor.u32 $0xD0000000, s2;
	s6 =	simm.s32 $0x108;
	_ =	swait.ge @!p0 [sflag:s8], $0x0  }
0x24: {  	s3 =	sadd.s32 $0x88, s3;
	s6 =	simm.s32 @!p1 $0x1082;
	[sflag:s4] =	ssyncset.s32 $0xFFFFF086  }
0x25: {  	[simem:s6], [sflag:s4] =	dma.local [hbm:s3], $0xF7A  }
0x26: {  	[smem:$0x3F97] =	sst s1;
	(tag) =	ssettag s2;
	_ =	strace s9  }
0x27: {  	s1 =	sld [smem:$0x3FA7]  }
0x28: {  	s2 =	sld [smem:$0x3FA8]  }
0x29: {  	s4 =	sld [smem:$0x3FAA]  }
0x2a: {  	p0 =	seq.s32 s5, $0x0;
	s5 =	sld [smem:$0x3FAB]  }
0x2b: {  	s6 =	sld [smem:$0x3FAC]  }
0x2c: {  	s7 =	sld [smem:$0x3FAD]  }
0x2d: {  	s3 =	simm.s32 $0x108;
	s8 =	sld [smem:$0x3FAE]  }
0x2e: {  	s3 =	simm.s32 @!p0 $0x1082;
	s9 =	sld [smem:$0x3FAF]  }
0x2f: {  	lr =	sadd.s32 s0, s3;
	s0 =	sld [smem:$0x3FA6]  }
0x30: {  	s3 =	sld [smem:$0x3FA9]  }
0x31: {  	[smem:$0x3FB2] =	sst s10  }
0x32: {  	s10 =	sld [smem:$0x3FB0];
	_ =	sdelay $0x3  }
0x33: {  	p0 =	seq.s32 s10, $0x1;
	s10 =	sld [smem:$0x3FB2];
	_ =	sdelay $0x3  }
0x34: {  	[smem:$0x3FB2] =	sst s10  }
0x35: {  	s10 =	sld [smem:$0x3FB1];
	_ =	sdelay $0x3  }
0x36: {  	p1 =	seq.s32 s10, $0x1;
	s10 =	sld [smem:$0x3FB2];
	_ =	sdelay $0x3  }
0x37: {  	[smem:$0x3FB2] =	sst s10  }
0x38: {  	s10 =	sld [smem:$0x3FB3]  }
0x39: {  	_ = 	snop;
	(pc) =	sbr.ind lr, $3  }
0x3a: {  	_ = 	snop  }
0x3b: {  	_ = 	snop  }
0x3c: {  	p2 =	seq.s32 s10, $0x1;
	s10 =	sld [smem:$0x3FB2]  }
0x3d: {  	_ =	shalt  }
0x3e: {  	_ =	shalt  }
0x3f: {  	_ =	shalt  }
0x40: {  	_ =	shalt  }
0x41: {  	_ =	shalt  }
0x42: {  	_ =	shalt  }
0x43: {  	_ =	shalt  }
0x44: {  	_ =	shalt  }
0x45: {  	_ =	shalt  }
0x46: {  	_ =	shalt  }
0x47: {  	_ =	shalt  }
0x48: {  	_ =	shalt  }
0x49: {  	_ =	shalt  }
0x4a: {  	_ =	shalt  }
0x4b: {  	_ =	shalt  }
0x4c: {  	_ =	shalt  }
0x4d: {  	_ =	shalt  }
0x4e: {  	_ =	shalt  }
0x4f: {  	_ =	shalt  }
0x50: {  	_ =	shalt  }
0x51: {  	_ =	shalt  }
0x52: {  	_ =	shalt  }
0x53: {  	_ =	shalt  }
0x54: {  	_ =	shalt  }
0x55: {  	_ =	shalt  }
0x56: {  	_ =	shalt  }
0x57: {  	_ =	shalt  }
0x58: {  	_ =	shalt  }
0x59: {  	_ =	shalt  }
0x5a: {  	_ =	shalt  }
0x5b: {  	_ =	shalt  }
0x5c: {  	_ =	shalt  }
0x5d: {  	_ =	shalt  }
0x5e: {  	_ =	shalt  }
0x5f: {  	_ =	shalt  }
0x60: {  	_ =	shalt  }
0x61: {  	_ =	shalt  }
0x62: {  	_ =	shalt  }
0x63: {  	_ =	shalt  }
0x64: {  	_ =	shalt  }
0x65: {  	_ =	shalt  }
0x66: {  	_ =	shalt  }
0x67: {  	_ =	shalt  }
0x68: {  	_ =	shalt  }
0x69: {  	_ =	shalt  }
0x6a: {  	_ =	shalt  }
0x6b: {  	_ =	shalt  }
0x6c: {  	_ =	shalt  }
0x6d: {  	_ =	shalt  }
0x6e: {  	_ =	shalt  }
0x6f: {  	_ =	shalt  }
0x70: {  	_ =	shalt  }
0x71: {  	_ =	shalt  }
0x72: {  	_ =	shalt  }
0x73: {  	_ =	shalt  }
0x74: {  	_ =	shalt  }
0x75: {  	_ =	shalt  }
0x76: {  	_ =	shalt  }
0x77: {  	_ =	shalt  }
0x78: {  	_ =	shalt  }
0x79: {  	_ =	shalt  }
0x7a: {  	_ =	shalt  }
0x7b: {  	_ =	shalt  }
0x7c: {  	_ =	shalt  }
0x7d: {  	_ =	shalt  }
0x7e: {  	_ =	shalt  }
0x7f: {  	_ =	shalt  }
0x80: {  	_ =	shalt  }
0x81: {  	_ =	shalt  }
0x82: {  	_ =	shalt  }
0x83: {  	_ =	shalt  }
0x84: {  	_ =	shalt  }
0x85: {  	_ =	shalt  }
0x86: {  	_ =	shalt  }
0x87: {  	_ =	shalt  }
.Lfunc_end0:
.L_simem_size_0:
called_computation_lowered:
.L_overlay_start_0:
0x88: {  	s2 =	sld [smem:$0x3FD9]  }
0x89: {  	s3 =	sld [smem:$0x3FFE];
	_ =	sdelay $0x1  }
0x8a: {  	s1 =	srdreg.scid  }
0x8b: {  	s0 =	sand.u32 $0x1, s1  }
0x8c: {  	s17 =	sshll.u32 s0, $0xA;
	s2 =	sadd.s32 s3, s2  }
0x8d: {  	s2 =	sadd.s32 s2, s17  }
0x8e: {  	[smem:$0x3FBE] =	sst s2  }
0x8f: {  	_ = 	snop  }
0x90: {  	s2 =	sld [smem:$0x3FC9]  }
0x91: {  	s18 =	sld [smem:$0x3FC8]  }
0x92: {  	s4 =	sld [smem:$0x3FD0];
	(tm) =	ssettm $0x1  }
0x93: {  	s5 =	sld [smem:$0x3FFB];
	_ =	sdelay $0x3  }
0x94: {  	_ =	strace s5  }
0x95: {  	s5 =	sld [smem:$0x3FFC];
	_ =	sdelay $0x3  }
0x96: {  	_ =	strace s5  }
0x97: {  	s5 =	sld [smem:$0x3FFD];
	_ =	sdelay $0x3  }
0x98: {  	_ =	strace s5  }
0x99: {  	_ =	strace $0x8FFFFFFF  }
0x9a: {  	s19 =	sld [smem:$0x3FDB];
	_ =	sdelay $0x1  }
0x9b: {  	s6 =	simm.s32 $_scs_section_size  }
0x9c: {  	s7 =	simm.s32 $_size__tile_overlayer_lowered;
	s8 =	simm.s32 $_tile_overlayer_lowered  }
0x9d: {  	s22 =	simm.s32 $0x1BFF;
	s21 =	sshll.u32 s8, $0x1;
	s5 =	sadd.s32 s6, s19  }
0x9e: {  	s9 =	simm.s32 $0x0;
	s20 =	sshll.u32 s7, $0x1;
	s7 =	sadd.s32 s21, s5  }
0x9f: {  	[timem:s9], [sflag:s22] =	dma.local [hbm:s7], s20  }
0xa0: {  	_ =	swait.ge [sflag:s22], s20  }
0xa1: {  	s6 =	ssub.s32 $0x0, s20;
	[sflag:s22] =	ssyncset.done $0x0  }
0xa2: {  	[sflag:s22] =	ssyncadd.s32 s6;
	_ =	sdelay $0x1  }
0xa3: {  	s23 =	simm.s32 $0x1B8B  }
0xa4: {  	_ =	swait.ge [sflag:s23], $0x1  }
0xa5: {  	[sflag:s23] =	ssyncset.done $0x0  }
0xa6: {  	s25 =	simm.s32 $0x1B8E;
	s24 =	sld [smem:$0x3FFE];
	[sflag:s23] =	ssyncadd.s32 $0xFFFFFFFF  }
0xa7: {  	s26 =	simm.s32 $execute0_lowered;
	[smem:$0x3FD2] =	sst s25  }
0xa8: {  	s7 =	sshll.u32 s26, $0x1;
	_ =	strace $0x80000046;
	[dreg:$0x1] =	wrdreg $0xFFFFFFFF  }
0xa9: {  	s28 =	simm.s32 $_size_execute0_lowered;
	s5 =	sadd.s32 s5, s7;
	[dreg:$0x0] =	wrdreg $0x0  }
0xaa: {  	s7 =	sshll.u32 s28, $0x1;
	[dreg:$0x2] =	wrdreg s5  }
0xab: {  	[dreg:$0x3] =	wrdreg s7  }
0xac: {  	[dreg:$0x4] =	wrdreg $0xC0  }
0xad: {  	_ =	task [dreg:s9], $0x5FFFF  }
0xae: {  	[dreg:$0x1] =	wrdreg $0xFFFFFFFF  }
0xaf: {  	[dreg:$0x0] =	wrdreg $0x60  }
0xb0: {  	[dreg:$0x2] =	wrdreg s2  }
0xb1: {  	[dreg:$0x3] =	wrdreg s18  }
0xb2: {  	[dreg:$0x4] =	wrdreg s4  }
0xb3: {  	[dreg:$0x5] =	wrdreg s24  }
0xb4: {  	[dreg:$0x6] =	wrdreg $0x9  }
0xb5: {  	_ =	task.clear_ibuf [dreg:s9], $0x7FFFF;
	_ =	strace $0x90000046  }
0xb6: {  	s29 =	simm.s32 $0x9;
	_ =	strace $0x80000048  }
0xb7: {  	_ =	swait.ge [sflag:s29], $0x1  }
0xb8: {  	[sflag:s29] =	ssyncadd.s32 $0xFFFFFFFF  }
0xb9: {  	_ =	strace $0x90000048  }
0xba: {  	_ =	sfence  }
0xbb: {  	s30 =	sld [smem:$0x0];
	_ =	sdelay $0x2  }
0xbc: {  	s31 =	sshll.u32 s1, $0xD;
	s1 =	sshrl.u32 s1, $0x2  }
0xbd: {  	s3 =	sand.u32 $0x4000, s31;
	s1 =	sadd.s32 s1, s30  }
0xbe: {  	s0 =	sor.u32 s3, s0;
	s1 =	sshll.u32 s1, $0x11  }
0xbf: {  	s0 =	sor.u32 s1, s0  }
0xc0: {  	s0 =	sadd.s32 $0x8F2B, s0  }
0xc1: {  	[sflag:s0] =	ssyncadd.remote.s32 $0x1  }
0xc2: {  	_ =	sfence.sel $0xFFFF  }
0xc3: {  	[dreg:$0x0] =	wrdreg $0xFFFFFFFF;
	(pc) =	sbr.abs _section_cstart, $3  }
0xc4: {  	[dreg:$0x1] =	wrdreg $0xFFFFFFFF  }
0xc5: {  	_ =	task.clear_ibuf [dreg:s9], $0x2FFFF;
	_ =	strace $0x9FFFFFFF  }
0xc6: {  	(tm) =	ssettm $0x7FFFFFFF  }
0xc7: {  	_ =	shalt  }
tec
execute0_lowered:
.L_overlay_start_1:
0x0: {  	(tag) =	ssettag $0x1  }
0x1: {  	s0 =	srdreg.scid;
	s1 =	rddreg [dreg:$0x0]  }
0x2: {  	s2 =	rddreg [dreg:$0x1];
	s3 =	sand.u32 $0x1, s0  }
0x3: {  	s22 =	stileid.u32;
	s5 =	rddreg [dreg:$0x2];
	s4 =	sshll.u32 s3, $0x4  }
0x4: {  	s7 =	rddreg [dreg:$0x3];
	s6 =	sor.u32 s22, s4;
	s4 =	simm.s32 $0x0  }
0x5: {  	s24 =	simm.s32 $0x180;
	[smem:$0x7FF] =	sst s4  }
0x6: {  	s25 =	simm.s32 $0x190;
	_ =	strace $0x80000047;
	[dreg:$0x7] =	wrdreg s24  }
0x7: {  	s26 =	simm.s32 $0x1A0;
	[dreg:$0x8] =	wrdreg s25  }
0x8: {  	s0 =	simm.s32 $0x1B0;
	[dreg:$0x9] =	wrdreg s26  }
0x9: {  	s9 =	simm.s32 $0x1F0;
	[dreg:$0xa] =	wrdreg s0  }
0xa: {  	s10 =	simm.s32 $0x200;
	[dreg:$0xe] =	wrdreg s9  }
0xb: {  	s11 =	simm.s32 $0x210;
	[dreg:$0xf] =	wrdreg s10  }
0xc: {  	s12 =	simm.s32 $0x220;
	[dreg:$0x10] =	wrdreg s11  }
0xd: {  	s13 =	simm.s32 $0x230;
	[dreg:$0x11] =	wrdreg s12  }
0xe: {  	s14 =	simm.s32 $0x240;
	[dreg:$0x12] =	wrdreg s13  }
0xf: {  	s15 =	simm.s32 $0x250;
	[dreg:$0x13] =	wrdreg s14  }
0x10: {  	s16 =	simm.s32 $0x260;
	[dreg:$0x14] =	wrdreg s15  }
0x11: {  	s17 =	simm.s32 $0x270;
	[dreg:$0x15] =	wrdreg s16  }
0x12: {  	s18 =	simm.s32 $0x280;
	s19 =	simm.s32 $0x290;
	[dreg:$0x16] =	wrdreg s17  }
0x13: {  	s20 =	simm.s32 $0x2A0;
	s21 =	simm.s32 $0x2B0;
	[dreg:$0x17] =	wrdreg s18  }
0x14: {  	s28 =	simm.s32 $0x9B00;
	s29 =	simm.s32 $0xA300;
	[dreg:$0x18] =	wrdreg s19  }
0x15: {  	s30 =	simm.s32 $0xAB00;
	s31 =	simm.s32 $0xB300;
	[dreg:$0x19] =	wrdreg s20  }
0x16: {  	s22 =	simm.s32 $0x2C0;
	s8 =	smul.u32 $0x1800, s6;
	[dreg:$0x1a] =	wrdreg s21  }
0x17: {  	s3 =	ssub.s32 $0x2, s3;
	s6 =	smul.u32 $0x30, s6;
	[dreg:$0x1b] =	wrdreg s22  }
0x18: {  	s24 =	simm.s32 $0x2D0;
	s25 =	simm.s32 $0x2E0;
	s26 =	simm.s32 $0x2F0  }
0x19: {  	s9 =	simm.s32 $0xB00;
	s10 =	simm.s32 $0x1300;
	s11 =	simm.s32 $0x1B00  }
0x1a: {  	s12 =	simm.s32 $0x2300;
	s13 =	simm.s32 $0x2B00;
	s14 =	simm.s32 $0x3300  }
0x1b: {  	s15 =	simm.s32 $0x3B00;
	s16 =	simm.s32 $0x4300;
	s17 =	simm.s32 $0x4B00  }
0x1c: {  	s18 =	simm.s32 $0x5300;
	s19 =	simm.s32 $0x5B00;
	s20 =	simm.s32 $0x6300  }
0x1d: {  	s21 =	simm.s32 $0x6B00;
	s22 =	simm.s32 $0x7300;
	[dreg:$0x1c] =	wrdreg s24  }
0x1e: {  	s7 =	sadd.s32 s8, s7;
	s5 =	sadd.s32 s5, s6;
	[dreg:$0x1d] =	wrdreg s25  }
0x1f: {  	s6 =	simm.s32 $0x1C0;
	s8 =	simm.s32 $0x1E0;
	[dreg:$0x1e] =	wrdreg s26  }
0x20: {  	s24 =	simm.s32 $0x8300;
	s25 =	simm.s32 $0x8B00;
	[dreg:$0x5] =	wrdreg s5  }
0x21: {  	s26 =	simm.s32 $0x9300;
	s23 =	sadd.s32 $0x1000, s7;
	[dreg:$0xb] =	wrdreg s6  }
0x22: {  	s7 =	simm.s32 $0x1D0;
	[dreg:$0xd] =	wrdreg s8;
	s6 =	simm.s32 $0x2  }
0x23: {  	s8 =	simm.s32 $0x300;
	[dreg:$0x6] =	wrdreg s23;
	s23 =	sshrl.u32 s3, $0x1  }
0x24: {  	[dreg:$0xc] =	wrdreg s7;
	s7 =	simm.s32 $0x1;
	s3 =	ssub.s32 s3, s23  }
0x25: {  	vm0 =	vmmov $0xffff;
	s23 =	simm.s32 $0x7B00;
	s5 =	smax.u32 s3, $0x1;
	s3 =	simm.s32 $0xBB00  }
.LBB2_1:
0x26: {  	s0 =	rddreg [dreg:$0x5]  }
0x27: {  	[tilespmem:s4], [sflag:$0x2] =	stream.linear.gather [hbm4b:s0+s4], $0x180, $0x38;
	[tilespmem:$0xC300] =	vst v63  }
0x28: {  	_ =	swait.ge [sflag:s6], $0x180  }
0x29: {  	[sflag:s6] =	ssyncset.done $0x0  }
0x2a: {  	[sflag:s6] =	ssyncadd.s32 $0xFFFFFE80  }
0x2b: {  	v0 =	vld [tilespmem:$0x0];
	_ =	sdelay $0x6  }
0x2c: {  	s0 =	rddreg [dreg:$0x7]  }
0x2d: {  	[tilespmem:s0], [sflag:$0x1] =	stream.indirect_vreg.gather [hbm4b:s2+s4], $0x1, v0, vm0, $0xb8;
	[tilespmem:$0xC300] =	vst v63  }
0x2e: {  	v0 =	vld [tilespmem:$0x10];
	_ =	sdelay $0x6  }
0x2f: {  	s0 =	rddreg [dreg:$0x8]  }
0x30: {  	[tilespmem:s0], [sflag:$0x1] =	stream.indirect_vreg.gather [hbm4b:s2+s4], $0x1, v0, vm0, $0xb8;
	[tilespmem:$0xC300] =	vst v63  }
0x31: {  	v0 =	vld [tilespmem:$0x20];
	_ =	sdelay $0x6  }
0x32: {  	s0 =	rddreg [dreg:$0x9]  }
0x33: {  	[tilespmem:s0], [sflag:$0x1] =	stream.indirect_vreg.gather [hbm4b:s2+s4], $0x1, v0, vm0, $0xb8;
	[tilespmem:$0xC300] =	vst v63  }
0x34: {  	v0 =	vld [tilespmem:$0x30];
	_ =	sdelay $0x6  }
0x35: {  	s0 =	rddreg [dreg:$0xa]  }
0x36: {  	[tilespmem:s0], [sflag:$0x1] =	stream.indirect_vreg.gather [hbm4b:s2+s4], $0x1, v0, vm0, $0xb8;
	[tilespmem:$0xC300] =	vst v63  }
0x37: {  	v0 =	vld [tilespmem:$0x40];
	_ =	sdelay $0x6  }
0x38: {  	s0 =	rddreg [dreg:$0xb]  }
0x39: {  	[tilespmem:s0], [sflag:$0x1] =	stream.indirect_vreg.gather [hbm4b:s2+s4], $0x1, v0, vm0, $0xb8;
	[tilespmem:$0xC300] =	vst v63  }
0x3a: {  	v0 =	vld [tilespmem:$0x50];
	_ =	sdelay $0x6  }
0x3b: {  	s0 =	rddreg [dreg:$0xc]  }
0x3c: {  	[tilespmem:s0], [sflag:$0x1] =	stream.indirect_vreg.gather [hbm4b:s2+s4], $0x1, v0, vm0, $0xb8;
	[tilespmem:$0xC300] =	vst v63  }
0x3d: {  	v0 =	vld [tilespmem:$0x60];
	_ =	sdelay $0x6  }
0x3e: {  	s0 =	rddreg [dreg:$0xd]  }
0x3f: {  	[tilespmem:s0], [sflag:$0x1] =	stream.indirect_vreg.gather [hbm4b:s2+s4], $0x1, v0, vm0, $0xb8;
	[tilespmem:$0xC300] =	vst v63  }
0x40: {  	v0 =	vld [tilespmem:$0x70];
	_ =	sdelay $0x6  }
0x41: {  	s0 =	rddreg [dreg:$0xe]  }
0x42: {  	[tilespmem:s0], [sflag:$0x1] =	stream.indirect_vreg.gather [hbm4b:s2+s4], $0x1, v0, vm0, $0xb8;
	[tilespmem:$0xC300] =	vst v63  }
0x43: {  	v0 =	vld [tilespmem:$0x80];
	_ =	sdelay $0x6  }
0x44: {  	s0 =	rddreg [dreg:$0xf]  }
0x45: {  	[tilespmem:s0], [sflag:$0x1] =	stream.indirect_vreg.gather [hbm4b:s2+s4], $0x1, v0, vm0, $0xb8;
	[tilespmem:$0xC300] =	vst v63  }
0x46: {  	v0 =	vld [tilespmem:$0x90];
	_ =	sdelay $0x6  }
0x47: {  	s0 =	rddreg [dreg:$0x10]  }
0x48: {  	[tilespmem:s0], [sflag:$0x1] =	stream.indirect_vreg.gather [hbm4b:s2+s4], $0x1, v0, vm0, $0xb8;
	[tilespmem:$0xC300] =	vst v63  }
0x49: {  	v0 =	vld [tilespmem:$0xA0];
	_ =	sdelay $0x6  }
0x4a: {  	s0 =	rddreg [dreg:$0x11]  }
0x4b: {  	[tilespmem:s0], [sflag:$0x1] =	stream.indirect_vreg.gather [hbm4b:s2+s4], $0x1, v0, vm0, $0xb8;
	[tilespmem:$0xC300] =	vst v63  }
0x4c: {  	v0 =	vld [tilespmem:$0xB0];
	_ =	sdelay $0x6  }
0x4d: {  	s0 =	rddreg [dreg:$0x12]  }
0x4e: {  	[tilespmem:s0], [sflag:$0x1] =	stream.indirect_vreg.gather [hbm4b:s2+s4], $0x1, v0, vm0, $0xb8;
	[tilespmem:$0xC300] =	vst v63  }
0x4f: {  	v0 =	vld [tilespmem:$0xC0];
	_ =	sdelay $0x6  }
0x50: {  	s0 =	rddreg [dreg:$0x13]  }
0x51: {  	[tilespmem:s0], [sflag:$0x1] =	stream.indirect_vreg.gather [hbm4b:s2+s4], $0x1, v0, vm0, $0xb8;
	[tilespmem:$0xC300] =	vst v63  }
0x52: {  	v0 =	vld [tilespmem:$0xD0];
	_ =	sdelay $0x6  }
0x53: {  	s0 =	rddreg [dreg:$0x14]  }
0x54: {  	[tilespmem:s0], [sflag:$0x1] =	stream.indirect_vreg.gather [hbm4b:s2+s4], $0x1, v0, vm0, $0xb8;
	[tilespmem:$0xC300] =	vst v63  }
0x55: {  	v0 =	vld [tilespmem:$0xE0];
	_ =	sdelay $0x6  }
0x56: {  	s0 =	rddreg [dreg:$0x15]  }
0x57: {  	[tilespmem:s0], [sflag:$0x1] =	stream.indirect_vreg.gather [hbm4b:s2+s4], $0x1, v0, vm0, $0xb8;
	[tilespmem:$0xC300] =	vst v63  }
0x58: {  	v0 =	vld [tilespmem:$0xF0];
	_ =	sdelay $0x6  }
0x59: {  	s0 =	rddreg [dreg:$0x16]  }
0x5a: {  	[tilespmem:s0], [sflag:$0x1] =	stream.indirect_vreg.gather [hbm4b:s2+s4], $0x1, v0, vm0, $0xb8;
	[tilespmem:$0xC300] =	vst v63  }
0x5b: {  	v0 =	vld [tilespmem:$0x100];
	_ =	sdelay $0x6  }
0x5c: {  	s0 =	rddreg [dreg:$0x17]  }
0x5d: {  	[tilespmem:s0], [sflag:$0x1] =	stream.indirect_vreg.gather [hbm4b:s2+s4], $0x1, v0, vm0, $0xb8;
	[tilespmem:$0xC300] =	vst v63  }
0x5e: {  	v0 =	vld [tilespmem:$0x110];
	_ =	sdelay $0x6  }
0x5f: {  	s0 =	rddreg [dreg:$0x18]  }
0x60: {  	[tilespmem:s0], [sflag:$0x1] =	stream.indirect_vreg.gather [hbm4b:s2+s4], $0x1, v0, vm0, $0xb8;
	[tilespmem:$0xC300] =	vst v63  }
0x61: {  	v0 =	vld [tilespmem:$0x120];
	_ =	sdelay $0x6  }
0x62: {  	s0 =	rddreg [dreg:$0x19]  }
0x63: {  	[tilespmem:s0], [sflag:$0x1] =	stream.indirect_vreg.gather [hbm4b:s2+s4], $0x1, v0, vm0, $0xb8;
	[tilespmem:$0xC300] =	vst v63  }
0x64: {  	v0 =	vld [tilespmem:$0x130];
	_ =	sdelay $0x6  }
0x65: {  	s0 =	rddreg [dreg:$0x1a]  }
0x66: {  	[tilespmem:s0], [sflag:$0x1] =	stream.indirect_vreg.gather [hbm4b:s2+s4], $0x1, v0, vm0, $0xb8;
	[tilespmem:$0xC300] =	vst v63  }
0x67: {  	v0 =	vld [tilespmem:$0x140];
	_ =	sdelay $0x6  }
0x68: {  	s0 =	rddreg [dreg:$0x1b]  }
0x69: {  	[tilespmem:s0], [sflag:$0x1] =	stream.indirect_vreg.gather [hbm4b:s2+s4], $0x1, v0, vm0, $0xb8;
	[tilespmem:$0xC300] =	vst v63  }
0x6a: {  	v0 =	vld [tilespmem:$0x150];
	_ =	sdelay $0x6  }
0x6b: {  	s0 =	rddreg [dreg:$0x1c]  }
0x6c: {  	[tilespmem:s0], [sflag:$0x1] =	stream.indirect_vreg.gather [hbm4b:s2+s4], $0x1, v0, vm0, $0xb8;
	[tilespmem:$0xC300] =	vst v63  }
0x6d: {  	v0 =	vld [tilespmem:$0x160];
	_ =	sdelay $0x6  }
0x6e: {  	s0 =	rddreg [dreg:$0x1d]  }
0x6f: {  	[tilespmem:s0], [sflag:$0x1] =	stream.indirect_vreg.gather [hbm4b:s2+s4], $0x1, v0, vm0, $0xb8;
	[tilespmem:$0xC300] =	vst v63  }
0x70: {  	v0 =	vld [tilespmem:$0x170];
	_ =	sdelay $0x6  }
0x71: {  	s0 =	rddreg [dreg:$0x1e]  }
0x72: {  	[tilespmem:s0], [sflag:$0x1] =	stream.indirect_vreg.gather [hbm4b:s2+s4], $0x1, v0, vm0, $0xb8;
	[tilespmem:$0xC300] =	vst v63  }
0x73: {  	_ =	swait.ge [sflag:s7], $0x10  }
0x74: {  	[sflag:s7] =	ssyncset.done $0x0  }
0x75: {  	[sflag:s7] =	ssyncadd.s32 $0xFFFFFFF0  }
0x76: {  	_ =	swait.ge [sflag:s7], $0x10  }
0x77: {  	[sflag:s7] =	ssyncset.done $0x0  }
0x78: {  	[sflag:s7] =	ssyncadd.s32 $0xFFFFFFF0  }
0x79: {  	_ =	swait.ge [sflag:s7], $0x10  }
0x7a: {  	[sflag:s7] =	ssyncset.done $0x0  }
0x7b: {  	[sflag:s7] =	ssyncadd.s32 $0xFFFFFFF0  }
0x7c: {  	_ =	swait.ge [sflag:s7], $0x10  }
0x7d: {  	[sflag:s7] =	ssyncset.done $0x0  }
0x7e: {  	[sflag:s7] =	ssyncadd.s32 $0xFFFFFFF0  }
0x7f: {  	_ =	swait.ge [sflag:s7], $0x10  }
0x80: {  	[sflag:s7] =	ssyncset.done $0x0  }
0x81: {  	[sflag:s7] =	ssyncadd.s32 $0xFFFFFFF0  }
0x82: {  	_ =	swait.ge [sflag:s7], $0x10  }
0x83: {  	[sflag:s7] =	ssyncset.done $0x0  }
0x84: {  	[sflag:s7] =	ssyncadd.s32 $0xFFFFFFF0  }
0x85: {  	_ =	swait.ge [sflag:s7], $0x10  }
0x86: {  	[sflag:s7] =	ssyncset.done $0x0  }
0x87: {  	[sflag:s7] =	ssyncadd.s32 $0xFFFFFFF0  }
0x88: {  	_ =	swait.ge [sflag:s7], $0x10  }
0x89: {  	[sflag:s7] =	ssyncset.done $0x0  }
0x8a: {  	[sflag:s7] =	ssyncadd.s32 $0xFFFFFFF0  }
0x8b: {  	_ =	swait.ge [sflag:s7], $0x10  }
0x8c: {  	[sflag:s7] =	ssyncset.done $0x0  }
0x8d: {  	[sflag:s7] =	ssyncadd.s32 $0xFFFFFFF0  }
0x8e: {  	_ =	swait.ge [sflag:s7], $0x10  }
0x8f: {  	[sflag:s7] =	ssyncset.done $0x0  }
0x90: {  	[sflag:s7] =	ssyncadd.s32 $0xFFFFFFF0  }
0x91: {  	_ =	swait.ge [sflag:s7], $0x10  }
0x92: {  	[sflag:s7] =	ssyncset.done $0x0  }
0x93: {  	[sflag:s7] =	ssyncadd.s32 $0xFFFFFFF0  }
0x94: {  	_ =	swait.ge [sflag:s7], $0x10  }
0x95: {  	[sflag:s7] =	ssyncset.done $0x0  }
0x96: {  	[sflag:s7] =	ssyncadd.s32 $0xFFFFFFF0  }
0x97: {  	_ =	swait.ge [sflag:s7], $0x10  }
0x98: {  	[sflag:s7] =	ssyncset.done $0x0  }
0x99: {  	[sflag:s7] =	ssyncadd.s32 $0xFFFFFFF0  }
0x9a: {  	_ =	swait.ge [sflag:s7], $0x10  }
0x9b: {  	[sflag:s7] =	ssyncset.done $0x0  }
0x9c: {  	[sflag:s7] =	ssyncadd.s32 $0xFFFFFFF0  }
0x9d: {  	_ =	swait.ge [sflag:s7], $0x10  }
0x9e: {  	[sflag:s7] =	ssyncset.done $0x0  }
0x9f: {  	[sflag:s7] =	ssyncadd.s32 $0xFFFFFFF0  }
0xa0: {  	_ =	swait.ge [sflag:s7], $0x10  }
0xa1: {  	[sflag:s7] =	ssyncset.done $0x0  }
0xa2: {  	[sflag:s7] =	ssyncadd.s32 $0xFFFFFFF0  }
0xa3: {  	_ =	swait.ge [sflag:s7], $0x10  }
0xa4: {  	[sflag:s7] =	ssyncset.done $0x0  }
0xa5: {  	[sflag:s7] =	ssyncadd.s32 $0xFFFFFFF0  }
0xa6: {  	_ =	swait.ge [sflag:s7], $0x10  }
0xa7: {  	[sflag:s7] =	ssyncset.done $0x0  }
0xa8: {  	[sflag:s7] =	ssyncadd.s32 $0xFFFFFFF0  }
0xa9: {  	_ =	swait.ge [sflag:s7], $0x10  }
0xaa: {  	[sflag:s7] =	ssyncset.done $0x0  }
0xab: {  	[sflag:s7] =	ssyncadd.s32 $0xFFFFFFF0  }
0xac: {  	_ =	swait.ge [sflag:s7], $0x10  }
0xad: {  	[sflag:s7] =	ssyncset.done $0x0  }
0xae: {  	[sflag:s7] =	ssyncadd.s32 $0xFFFFFFF0  }
0xaf: {  	_ =	swait.ge [sflag:s7], $0x10  }
0xb0: {  	[sflag:s7] =	ssyncset.done $0x0  }
0xb1: {  	[sflag:s7] =	ssyncadd.s32 $0xFFFFFFF0  }
0xb2: {  	_ =	swait.ge [sflag:s7], $0x10  }
0xb3: {  	[sflag:s7] =	ssyncset.done $0x0  }
0xb4: {  	[sflag:s7] =	ssyncadd.s32 $0xFFFFFFF0  }
0xb5: {  	_ =	swait.ge [sflag:s7], $0x10  }
0xb6: {  	[sflag:s7] =	ssyncset.done $0x0  }
0xb7: {  	[sflag:s7] =	ssyncadd.s32 $0xFFFFFFF0  }
0xb8: {  	_ =	swait.ge [sflag:s7], $0x10  }
0xb9: {  	[sflag:s7] =	ssyncset.done $0x0  }
0xba: {  	[sflag:s7] =	ssyncadd.s32 $0xFFFFFFF0  }
0xbb: {  	v63 =	vld [tilespmem:$0x180];
	_ =	sdelay $0x7  }
0xbc: {  	[tilespmem:s8], [sflag:$0x1] =	stream.indirect_vreg.gather [hbm4b:s1+s4], $0x80, v63, vm0, $0xb8;
	[tilespmem:$0xC300] =	vst v63  }
0xbd: {  	v0 =	vld [tilespmem:$0x190];
	_ =	sdelay $0x7  }
0xbe: {  	[tilespmem:s9], [sflag:$0x1] =	stream.indirect_vreg.gather [hbm4b:s1+s4], $0x80, v0, vm0, $0xb8;
	[tilespmem:$0xC300] =	vst v63  }
0xbf: {  	v0 =	vld [tilespmem:$0x1A0];
	_ =	sdelay $0x7  }
0xc0: {  	[tilespmem:s10], [sflag:$0x1] =	stream.indirect_vreg.gather [hbm4b:s1+s4], $0x80, v0, vm0, $0xb8;
	[tilespmem:$0xC300] =	vst v63  }
0xc1: {  	v0 =	vld [tilespmem:$0x1B0];
	_ =	sdelay $0x7  }
0xc2: {  	[tilespmem:s11], [sflag:$0x1] =	stream.indirect_vreg.gather [hbm4b:s1+s4], $0x80, v0, vm0, $0xb8;
	[tilespmem:$0xC300] =	vst v63  }
0xc3: {  	v0 =	vld [tilespmem:$0x1C0];
	_ =	sdelay $0x7  }
0xc4: {  	[tilespmem:s12], [sflag:$0x1] =	stream.indirect_vreg.gather [hbm4b:s1+s4], $0x80, v0, vm0, $0xb8;
	[tilespmem:$0xC300] =	vst v63  }
0xc5: {  	v0 =	vld [tilespmem:$0x1D0];
	_ =	sdelay $0x7  }
0xc6: {  	[tilespmem:s13], [sflag:$0x1] =	stream.indirect_vreg.gather [hbm4b:s1+s4], $0x80, v0, vm0, $0xb8;
	[tilespmem:$0xC300] =	vst v63  }
0xc7: {  	v0 =	vld [tilespmem:$0x1E0];
	_ =	sdelay $0x7  }
0xc8: {  	[tilespmem:s14], [sflag:$0x1] =	stream.indirect_vreg.gather [hbm4b:s1+s4], $0x80, v0, vm0, $0xb8;
	[tilespmem:$0xC300] =	vst v63  }
0xc9: {  	v0 =	vld [tilespmem:$0x1F0];
	_ =	sdelay $0x7  }
0xca: {  	[tilespmem:s15], [sflag:$0x1] =	stream.indirect_vreg.gather [hbm4b:s1+s4], $0x80, v0, vm0, $0xb8;
	[tilespmem:$0xC300] =	vst v63  }
0xcb: {  	v0 =	vld [tilespmem:$0x200];
	_ =	sdelay $0x7  }
0xcc: {  	[tilespmem:s16], [sflag:$0x1] =	stream.indirect_vreg.gather [hbm4b:s1+s4], $0x80, v0, vm0, $0xb8;
	[tilespmem:$0xC300] =	vst v63  }
0xcd: {  	v0 =	vld [tilespmem:$0x210];
	_ =	sdelay $0x7  }
0xce: {  	[tilespmem:s17], [sflag:$0x1] =	stream.indirect_vreg.gather [hbm4b:s1+s4], $0x80, v0, vm0, $0xb8;
	[tilespmem:$0xC300] =	vst v63  }
0xcf: {  	v0 =	vld [tilespmem:$0x220];
	_ =	sdelay $0x7  }
0xd0: {  	[tilespmem:s18], [sflag:$0x1] =	stream.indirect_vreg.gather [hbm4b:s1+s4], $0x80, v0, vm0, $0xb8;
	[tilespmem:$0xC300] =	vst v63  }
0xd1: {  	v0 =	vld [tilespmem:$0x230];
	_ =	sdelay $0x7  }
0xd2: {  	[tilespmem:s19], [sflag:$0x1] =	stream.indirect_vreg.gather [hbm4b:s1+s4], $0x80, v0, vm0, $0xb8;
	[tilespmem:$0xC300] =	vst v63  }
0xd3: {  	v0 =	vld [tilespmem:$0x240];
	_ =	sdelay $0x7  }
0xd4: {  	[tilespmem:s20], [sflag:$0x1] =	stream.indirect_vreg.gather [hbm4b:s1+s4], $0x80, v0, vm0, $0xb8;
	[tilespmem:$0xC300] =	vst v63  }
0xd5: {  	v0 =	vld [tilespmem:$0x250];
	_ =	sdelay $0x7  }
0xd6: {  	[tilespmem:s21], [sflag:$0x1] =	stream.indirect_vreg.gather [hbm4b:s1+s4], $0x80, v0, vm0, $0xb8;
	[tilespmem:$0xC300] =	vst v63  }
0xd7: {  	v0 =	vld [tilespmem:$0x260];
	_ =	sdelay $0x7  }
0xd8: {  	[tilespmem:s22], [sflag:$0x1] =	stream.indirect_vreg.gather [hbm4b:s1+s4], $0x80, v0, vm0, $0xb8;
	[tilespmem:$0xC300] =	vst v63  }
0xd9: {  	v0 =	vld [tilespmem:$0x270];
	_ =	sdelay $0x7  }
0xda: {  	[tilespmem:s23], [sflag:$0x1] =	stream.indirect_vreg.gather [hbm4b:s1+s4], $0x80, v0, vm0, $0xb8;
	[tilespmem:$0xC300] =	vst v63  }
0xdb: {  	v0 =	vld [tilespmem:$0x280];
	_ =	sdelay $0x7  }
0xdc: {  	[tilespmem:s24], [sflag:$0x1] =	stream.indirect_vreg.gather [hbm4b:s1+s4], $0x80, v0, vm0, $0xb8;
	[tilespmem:$0xC300] =	vst v63  }
0xdd: {  	v0 =	vld [tilespmem:$0x290];
	_ =	sdelay $0x7  }
0xde: {  	[tilespmem:s25], [sflag:$0x1] =	stream.indirect_vreg.gather [hbm4b:s1+s4], $0x80, v0, vm0, $0xb8;
	[tilespmem:$0xC300] =	vst v63  }
0xdf: {  	v0 =	vld [tilespmem:$0x2A0];
	_ =	sdelay $0x7  }
0xe0: {  	[tilespmem:s26], [sflag:$0x1] =	stream.indirect_vreg.gather [hbm4b:s1+s4], $0x80, v0, vm0, $0xb8;
	[tilespmem:$0xC300] =	vst v63  }
0xe1: {  	v0 =	vld [tilespmem:$0x2B0];
	_ =	sdelay $0x7  }
0xe2: {  	[tilespmem:s28], [sflag:$0x1] =	stream.indirect_vreg.gather [hbm4b:s1+s4], $0x80, v0, vm0, $0xb8;
	[tilespmem:$0xC300] =	vst v63  }
0xe3: {  	v0 =	vld [tilespmem:$0x2C0];
	_ =	sdelay $0x7  }
0xe4: {  	[tilespmem:s29], [sflag:$0x1] =	stream.indirect_vreg.gather [hbm4b:s1+s4], $0x80, v0, vm0, $0xb8;
	[tilespmem:$0xC300] =	vst v63  }
0xe5: {  	v0 =	vld [tilespmem:$0x2D0];
	_ =	sdelay $0x7  }
0xe6: {  	[tilespmem:s30], [sflag:$0x1] =	stream.indirect_vreg.gather [hbm4b:s1+s4], $0x80, v0, vm0, $0xb8;
	[tilespmem:$0xC300] =	vst v63  }
0xe7: {  	v0 =	vld [tilespmem:$0x2E0];
	_ =	sdelay $0x7  }
0xe8: {  	[tilespmem:s31], [sflag:$0x1] =	stream.indirect_vreg.gather [hbm4b:s1+s4], $0x80, v0, vm0, $0xb8;
	[tilespmem:$0xC300] =	vst v63  }
0xe9: {  	v0 =	vld [tilespmem:$0x2F0];
	_ =	sdelay $0x7  }
0xea: {  	[tilespmem:s3], [sflag:$0x1] =	stream.indirect_vreg.gather [hbm4b:s1+s4], $0x80, v0, vm0, $0xb8;
	[tilespmem:$0xC300] =	vst v63  }
0xeb: {  	_ =	swait.ge [sflag:s7], $0x800  }
0xec: {  	[sflag:s7] =	ssyncset.done $0x0  }
0xed: {  	[sflag:s7] =	ssyncadd.s32 $0xFFFFF800  }
0xee: {  	_ =	swait.ge [sflag:s7], $0x800  }
0xef: {  	[sflag:s7] =	ssyncset.done $0x0  }
0xf0: {  	[sflag:s7] =	ssyncadd.s32 $0xFFFFF800  }
0xf1: {  	_ =	swait.ge [sflag:s7], $0x800  }
0xf2: {  	[sflag:s7] =	ssyncset.done $0x0  }
0xf3: {  	[sflag:s7] =	ssyncadd.s32 $0xFFFFF800  }
0xf4: {  	_ =	swait.ge [sflag:s7], $0x800  }
0xf5: {  	[sflag:s7] =	ssyncset.done $0x0  }
0xf6: {  	[sflag:s7] =	ssyncadd.s32 $0xFFFFF800  }
0xf7: {  	_ =	swait.ge [sflag:s7], $0x800  }
0xf8: {  	[sflag:s7] =	ssyncset.done $0x0  }
0xf9: {  	[sflag:s7] =	ssyncadd.s32 $0xFFFFF800  }
0xfa: {  	_ =	swait.ge [sflag:s7], $0x800  }
0xfb: {  	[sflag:s7] =	ssyncset.done $0x0  }
0xfc: {  	[sflag:s7] =	ssyncadd.s32 $0xFFFFF800  }
0xfd: {  	_ =	swait.ge [sflag:s7], $0x800  }
0xfe: {  	[sflag:s7] =	ssyncset.done $0x0  }
0xff: {  	[sflag:s7] =	ssyncadd.s32 $0xFFFFF800  }
0x100: {  	_ =	swait.ge [sflag:s7], $0x800  }
0x101: {  	[sflag:s7] =	ssyncset.done $0x0  }
0x102: {  	[sflag:s7] =	ssyncadd.s32 $0xFFFFF800  }
0x103: {  	_ =	swait.ge [sflag:s7], $0x800  }
0x104: {  	[sflag:s7] =	ssyncset.done $0x0  }
0x105: {  	[sflag:s7] =	ssyncadd.s32 $0xFFFFF800  }
0x106: {  	_ =	swait.ge [sflag:s7], $0x800  }
0x107: {  	[sflag:s7] =	ssyncset.done $0x0  }
0x108: {  	[sflag:s7] =	ssyncadd.s32 $0xFFFFF800  }
0x109: {  	_ =	swait.ge [sflag:s7], $0x800  }
0x10a: {  	[sflag:s7] =	ssyncset.done $0x0  }
0x10b: {  	[sflag:s7] =	ssyncadd.s32 $0xFFFFF800  }
0x10c: {  	_ =	swait.ge [sflag:s7], $0x800  }
0x10d: {  	[sflag:s7] =	ssyncset.done $0x0  }
0x10e: {  	[sflag:s7] =	ssyncadd.s32 $0xFFFFF800  }
0x10f: {  	_ =	swait.ge [sflag:s7], $0x800  }
0x110: {  	[sflag:s7] =	ssyncset.done $0x0  }
0x111: {  	[sflag:s7] =	ssyncadd.s32 $0xFFFFF800  }
0x112: {  	_ =	swait.ge [sflag:s7], $0x800  }
0x113: {  	[sflag:s7] =	ssyncset.done $0x0  }
0x114: {  	[sflag:s7] =	ssyncadd.s32 $0xFFFFF800  }
0x115: {  	_ =	swait.ge [sflag:s7], $0x800  }
0x116: {  	[sflag:s7] =	ssyncset.done $0x0  }
0x117: {  	[sflag:s7] =	ssyncadd.s32 $0xFFFFF800  }
0x118: {  	_ =	swait.ge [sflag:s7], $0x800  }
0x119: {  	[sflag:s7] =	ssyncset.done $0x0  }
0x11a: {  	[sflag:s7] =	ssyncadd.s32 $0xFFFFF800  }
0x11b: {  	_ =	swait.ge [sflag:s7], $0x800  }
0x11c: {  	[sflag:s7] =	ssyncset.done $0x0  }
0x11d: {  	[sflag:s7] =	ssyncadd.s32 $0xFFFFF800  }
0x11e: {  	_ =	swait.ge [sflag:s7], $0x800  }
0x11f: {  	[sflag:s7] =	ssyncset.done $0x0  }
0x120: {  	[sflag:s7] =	ssyncadd.s32 $0xFFFFF800  }
0x121: {  	_ =	swait.ge [sflag:s7], $0x800  }
0x122: {  	[sflag:s7] =	ssyncset.done $0x0  }
0x123: {  	[sflag:s7] =	ssyncadd.s32 $0xFFFFF800  }
0x124: {  	_ =	swait.ge [sflag:s7], $0x800  }
0x125: {  	[sflag:s7] =	ssyncset.done $0x0  }
0x126: {  	[sflag:s7] =	ssyncadd.s32 $0xFFFFF800  }
0x127: {  	_ =	swait.ge [sflag:s7], $0x800  }
0x128: {  	[sflag:s7] =	ssyncset.done $0x0  }
0x129: {  	[sflag:s7] =	ssyncadd.s32 $0xFFFFF800  }
0x12a: {  	_ =	swait.ge [sflag:s7], $0x800  }
0x12b: {  	[sflag:s7] =	ssyncset.done $0x0  }
0x12c: {  	[sflag:s7] =	ssyncadd.s32 $0xFFFFF800  }
0x12d: {  	_ =	swait.ge [sflag:s7], $0x800  }
0x12e: {  	[sflag:s7] =	ssyncset.done $0x0  }
0x12f: {  	[sflag:s7] =	ssyncadd.s32 $0xFFFFF800  }
0x130: {  	_ =	swait.ge [sflag:s7], $0x800  }
0x131: {  	p0 =	sne.s32 s5, $0x1;
	[sflag:s7] =	ssyncset.done $0x0  }
.Ltmp0:
0x132: {  	s0 =	rddreg [dreg:$0x6];
	[sflag:s7] =	ssyncadd.s32 $0xFFFFF800;
	(pc) =	sbr.rel @p0 .LBB2_1-.Ltmp0, $4  }
0x133: {  	[hbm4b:s0+s4] =	stream.linear.scatter [tilespmem:s8], [sflag:$0x2], $0xC000, $0x38;
	[tilespmem:$0xC300] =	vst v63  }
0x134: {  	_ =	swait.ge [sflag:s6], $0xC000  }
0x135: {  	[sflag:s6] =	ssyncset.done $0x0  }
0x136: {  	s5 =	sadd.s32 $0xFFFFFFFF, s5;
	[sflag:s6] =	ssyncadd.s32 $0xFFFF4000  }
0x137: {  	_ =	sfence.sel $0x180000  }
0x138: {  	[bflag:$0x0] =	sbarrier.arrive $0xFFFF  }
0x139: {  	_ =	strace $0x90000047  }
0x13a: {  	s0 =	stileid.u32;
	[bflag:$0x2] =	sbarrier.arrive $0xFFFF  }
0x13b: {  	p0 =	sne.s32 s0, $0x0;
	s0 =	rddreg [dreg:$0x4]  }
0x13c: {  	s0 =	sadd.s32 @!p0 $0x100000, s0  }
0x13d: {  	[sflag:s0] =	ssyncadd.tile.s32 @!p0 $0x1;
	_ =	shalt  }
.Lfunc_end2:
_tile_overlayer_lowered:
.L_overlay_start_2:
0x13e: {  	(tag) =	ssettag $0x2  }
0x13f: {  	s0 =	rddreg [dreg:$0x0];
	s2 =	stileid.u32  }
0x140: {  	s1 =	rddreg [dreg:$0x1];
	p0 =	sne.s32 s2, $0x0  }
0x141: {  	s3 =	rddreg [dreg:$0x2];
	[bflag:$0x3] =	sbarrier.arrive $0xFFFF;
	s2 =	simm.s32 @!p0 $0x1C02  }
0x142: {  	[timem:s3], [sflag:s2] =	dma.local @!p0 [hbm:s0], s1  }
0x143: {  	s0 =	simm.s32 @!p0 $0x2  }
0x144: {  	_ =	swait.ge @!p0 [sflag:s0], s1  }
0x145: {  	s1 =	ssub.s32 @!p0 $0x0, s1;
	[sflag:s0] =	ssyncset.done @!p0 $0x0  }
0x146: {  	[sflag:s0] =	ssyncadd.s32 @!p0 s1  }
0x147: {  	[bflag:$0x3] =	sbarrier.arrive $0xFFFF  }
0x148: {  	_ =	shalt  }

</sc_bundles>
